<compile_context>
chip_gen: v7x
topology: tpu7x:2x2x1
jax: 0.10.2.dev20260603
libtpu: 0.0.44.dev20260713+nightly
codegen_flags: <defaults>
</compile_context>

<pallas_src>
import functools

import jax
import jax.numpy as jnp
from jax import lax
from jax.experimental import pallas as pl
from jax.experimental.pallas import tpu as pltpu
from jax.experimental.pallas import tpu_sc as plsc

N_NODES = 10000
D_NODE = 128
D_EDGE = 128
D_HID = 512
N_EDGES = 320000

_B = 128
_NCHUNK = N_EDGES // _B
_NW = 32
_FULL = _NCHUNK // _NW
_EXTRA = _NCHUNK - _FULL * _NW
_ACC_ROWS = 10240
_ROWS_PER_TILE = _ACC_ROWS // 16

_mesh = plsc.VectorSubcoreMesh(
    core_axis_name="c", subcore_axis_name="s", num_cores=2, num_subcores=16)


@functools.partial(
    pl.kernel,
    out_type=jax.ShapeDtypeStruct((2, _ACC_ROWS, D_EDGE), jnp.float32),
    mesh=_mesh,
    scratch_types=[
        pltpu.VMEM((_FULL + 1, 1, _B), jnp.int32),
        pltpu.VMEM((_B, D_EDGE), jnp.float32),
        pltpu.VMEM((_B, D_EDGE), jnp.float32),
        pltpu.VMEM_SHARED((_ACC_ROWS, D_EDGE), jnp.float32),
        pltpu.SemaphoreType.DMA,
        pltpu.SemaphoreType.DMA,
        pltpu.SemaphoreType.DMA,
        pltpu.SemaphoreType.DMA,
    ],
)
def _sc_scatter(edge_hbm, idx_hbm, out_hbm, idxbuf, eb0, eb1, acc,
                sL0, sL1, sS0, sS1):
    c = lax.axis_index("c")
    s = lax.axis_index("s")
    wid = s * 2 + c

    def _zbody(i, carry):
        eb0[i // 8, pl.ds((i % 8) * 16, 16)] = jnp.zeros((16,), jnp.float32)
        return carry
    lax.fori_loop(0, _B * 8, _zbody, 0)

    row0 = s * _ROWS_PER_TILE
    for j in range(_ROWS_PER_TILE // _B):
        pltpu.sync_copy(eb0, acc.at[pl.ds(row0 + j * _B, _B)])

    pltpu.sync_copy(idx_hbm.at[pl.ds(wid * _FULL, _FULL)],
                    idxbuf.at[pl.ds(0, _FULL)])

    @pl.when(wid < _EXTRA)
    def _():
        pltpu.sync_copy(idx_hbm.at[pl.ds(_NW * _FULL + wid, 1)],
                        idxbuf.at[pl.ds(_FULL, 1)])

    plsc.subcore_barrier()

    first = wid * _FULL
    ebs = [eb0, eb1]
    sLs = [sL0, sL1]
    sSs = [sS0, sS1]

    def _load(c, k):
        pltpu.async_copy(edge_hbm.at[pl.ds((first + c) * _B, _B)],
                         ebs[k], sLs[k])

    def _waitL(k):
        pltpu.make_async_copy(edge_hbm.at[pl.ds(0, _B)], ebs[k], sLs[k]).wait()

    def _scat(c, k):
        pltpu.async_copy(ebs[k], acc.at[idxbuf.at[c, 0]], sSs[k], add=True)

    def _waitS(k):
        pltpu.make_async_copy(ebs[k], acc.at[idxbuf.at[0, 0]], sSs[k]).wait()

    _load(0, 0)
    _load(1, 1)
    _waitL(0)
    _scat(0, 0)

    def _body(g, carry):
        i = 2 * g
        _waitS(0)
        _load(i, 0)
        _waitL(1)
        _scat(i - 1, 1)
        _waitS(1)
        _load(i + 1, 1)
        _waitL(0)
        _scat(i, 0)
        return carry
    lax.fori_loop(1, _FULL // 2, _body, 0)

    _waitL(1)
    _scat(_FULL - 1, 1)
    _waitS(0)
    _waitS(1)

    @pl.when(wid < _EXTRA)
    def _():
        pltpu.sync_copy(edge_hbm.at[pl.ds((_NW * _FULL + wid) * _B, _B)], eb0)
        pltpu.sync_copy(eb0, acc.at[idxbuf.at[_FULL, 0]], add=True)

    plsc.subcore_barrier()

    pltpu.sync_copy(acc.at[pl.ds(row0, _ROWS_PER_TILE)],
                    out_hbm.at[c, pl.ds(row0, _ROWS_PER_TILE)])


def _mlp_body(nf_ref, agg_ref, w1a_ref, w1b_ref, b1_ref, w2_ref, b2_ref,
              g_ref, bt_ref, out_ref):
    nf = nf_ref[...]
    a = agg_ref[0] + agg_ref[1]
    h = (jnp.dot(nf, w1a_ref[...], preferred_element_type=jnp.float32)
         + jnp.dot(a, w1b_ref[...], preferred_element_type=jnp.float32)
         + b1_ref[...])
    h = h * jax.nn.sigmoid(h)
    h = jnp.dot(h, w2_ref[...], preferred_element_type=jnp.float32) + b2_ref[...]
    mu = jnp.mean(h, axis=-1, keepdims=True)
    var = jnp.mean((h - mu) ** 2, axis=-1, keepdims=True)
    h = (h - mu) * lax.rsqrt(var + 1e-5) * g_ref[...] + bt_ref[...]
    out_ref[...] = h + nf


_R = 2048


def _mlp(nf, agg, w1a, w1b, b1, w2, b2, gamma, beta):
    return pl.pallas_call(
        _mlp_body,
        grid=(_ACC_ROWS // _R,),
        in_specs=[
            pl.BlockSpec((_R, D_NODE), lambda i: (i, 0)),
            pl.BlockSpec((2, _R, D_EDGE), lambda i: (0, i, 0)),
            pl.BlockSpec((D_NODE, D_HID), lambda i: (0, 0)),
            pl.BlockSpec((D_EDGE, D_HID), lambda i: (0, 0)),
            pl.BlockSpec((1, D_HID), lambda i: (0, 0)),
            pl.BlockSpec((D_HID, D_NODE), lambda i: (0, 0)),
            pl.BlockSpec((1, D_NODE), lambda i: (0, 0)),
            pl.BlockSpec((1, D_NODE), lambda i: (0, 0)),
            pl.BlockSpec((1, D_NODE), lambda i: (0, 0)),
        ],
        out_specs=pl.BlockSpec((_R, D_NODE), lambda i: (i, 0)),
        out_shape=jax.ShapeDtypeStruct((N_NODES, D_NODE), jnp.float32),
    )(nf, agg, w1a, w1b, b1, w2, b2, gamma, beta)


def kernel(node_features, edge_features, src_indices, W1, b1, W2, b2,
           gamma, beta):
    idx3d = src_indices.reshape(_NCHUNK, 1, _B).astype(jnp.int32)
    agg = _sc_scatter(edge_features, idx3d)
    return _mlp(node_features, agg, W1[:D_NODE], W1[D_NODE:],
                b1.reshape(1, -1), W2, b2.reshape(1, -1),
                gamma.reshape(1, -1), beta.reshape(1, -1))

# --- scband reference (transcript-rebuilt; emitter-appended) ---
"""Pipeline reference for scband-mesh-node-block-57552561766959 (READ-ONLY COPY).

The authoritative reference and input builder live on the scoring server;
editing this copy changes nothing except your own understanding.
"""

import jax, jax.numpy as jnp
import numpy as np

D_NODE = 128
D_EDGE = 128
D_HID = 512
N_NODES = 10000
N_EDGES = 320000


def setup_inputs(seed: int = 0) -> dict:
    key = jax.random.key(seed)
    ks = jax.random.split(key, 8)
    node_features = jax.random.normal(ks[0], (N_NODES, D_NODE), dtype=jnp.float32)
    edge_features = jax.random.normal(ks[1], (N_EDGES, D_EDGE), dtype=jnp.float32)
    src_indices = jax.random.randint(ks[2], (N_EDGES,), 0, N_NODES, dtype=jnp.int64 if jax.config.read('jax_enable_x64') else jnp.int32)
    # MeshGraphMLP params: Linear(D_NODE+D_EDGE -> D_HID), SiLU, Linear(D_HID -> D_NODE), LayerNorm(D_NODE)
    W1 = jax.random.normal(ks[3], (D_NODE + D_EDGE, D_HID), dtype=jnp.float32) * 0.02
    b1 = jnp.zeros((D_HID,), dtype=jnp.float32)
    W2 = jax.random.normal(ks[4], (D_HID, D_NODE), dtype=jnp.float32) * 0.02
    b2 = jnp.zeros((D_NODE,), dtype=jnp.float32)
    gamma = jnp.ones((D_NODE,), dtype=jnp.float32)
    beta = jnp.zeros((D_NODE,), dtype=jnp.float32)
    return {
        'node_features': node_features,
        'edge_features': edge_features,
        'src_indices': src_indices,
        'W1': W1, 'b1': b1, 'W2': W2, 'b2': b2,
        'gamma': gamma, 'beta': beta,
    }


def _layer_norm(h, gamma, beta, eps=1e-5):
    mu = jnp.mean(h, axis=-1, keepdims=True)
    var = jnp.var(h, axis=-1, keepdims=True)
    return (h - mu) / jnp.sqrt(var + eps) * gamma + beta


def reference(node_features, edge_features, src_indices, W1, b1, W2, b2, gamma, beta):
    num_local_nodes = node_features.shape[0]
    # comm.scatter with 'sum' aggregation == scatter-add of edge features onto source nodes
    aggregated = jnp.zeros((num_local_nodes, edge_features.shape[-1]), dtype=edge_features.dtype)
    aggregated = aggregated.at[src_indices].add(edge_features)
    x = jnp.concatenate([node_features, aggregated], axis=-1)
    h = jax.nn.silu(x @ W1 + b1)
    h = h @ W2 + b2
    h = _layer_norm(h, gamma, beta)
    return h + node_features

if __name__ == "__main__":
    import jax
    _d = setup_inputs()
    print(jax.jit(kernel)(*tuple(_d.values())))

</pallas_src>

<mosaic_0001>
#map = affine_map<(d0, d1) -> (0, 0)>
#map1 = affine_map<(d0, d1) -> (0, 0, 0)>
module attributes {stable_mosaic.version = 14 : i64} {
  func.func @_sc_scatter(%arg0: i32, %arg1: i32, %arg2: memref<320000x128xf32, #tpu.memory_space<hbm>>, %arg3: memref<2500x1x128xi32, #tpu.memory_space<hbm>>, %arg4: memref<2x10240x128xf32, #tpu.memory_space<hbm>>, %arg5: memref<79x1x128xi32, #tpu.memory_space<vmem>>, %arg6: memref<128x128xf32, #tpu.memory_space<vmem>>, %arg7: memref<128x128xf32, #tpu.memory_space<vmem>>, %arg8: memref<10240x128xf32, #tpu.memory_space<vmem_shared>>, %arg9: memref<!tpu.dma_semaphore, #tpu.memory_space<semaphore_mem>>, %arg10: memref<!tpu.dma_semaphore, #tpu.memory_space<semaphore_mem>>, %arg11: memref<!tpu.dma_semaphore, #tpu.memory_space<semaphore_mem>>, %arg12: memref<!tpu.dma_semaphore, #tpu.memory_space<semaphore_mem>>) attributes {dimension_semantics = [#tpu.dimension_semantics<core_parallel>, #tpu.dimension_semantics<subcore_parallel>], iteration_bounds = array<i64: 2, 16>, scalar_prefetch = 0 : i64, scratch_operands = 8 : i64, tpu.core_type = #tpu.core_type<sc_vector_subcore>, window_params = [{transform_indices = #map}, {transform_indices = #map1}, {transform_indices = #map1}]} {
    %mul3A = arith.constant 2 : i32
    %mul3A_0 = arith.muli %arg1, %mul3A : i32
    %add3A = arith.addi %mul3A_0, %arg0 : i32
    %scan3A = arith.constant 0 : i32
    %scan3A_1 = arith.constant 0 : i32
    %scan3A_2 = arith.constant 1024 : i32
    %scan3A_3 = arith.addi %scan3A_1, %scan3A_2 : i32
    %scan3A_4 = arith.constant 1 : i32
    scf.for %scan3A_94 = %scan3A_1 to %scan3A_3 step %scan3A_4  : i32 {
      %broadcast_in_dim3A = arith.constant 0.000000e+00 : f32
      %broadcast_in_dim3A_95 = vector.broadcast %broadcast_in_dim3A : f32 to vector<16xf32>
      %jit3A = arith.constant 8 : i32
      %div3A = arith.divsi %scan3A_94, %jit3A : i32
      %sign3A = arith.constant 0 : i32
      %sign3A_96 = arith.cmpi sgt, %scan3A_94, %sign3A : i32
      %sign3A_97 = arith.extui %sign3A_96 : i1 to i32
      %sign3A_98 = arith.constant 0 : i32
      %sign3A_99 = arith.cmpi slt, %scan3A_94, %sign3A_98 : i32
      %sign3A_100 = arith.extui %sign3A_99 : i1 to i32
      %sign3A_101 = arith.subi %sign3A_97, %sign3A_100 : i32
      %sign3A_102 = arith.constant 0 : i32
      %sign3A_103 = arith.cmpi sgt, %jit3A, %sign3A_102 : i32
      %sign3A_104 = arith.extui %sign3A_103 : i1 to i32
      %sign3A_105 = arith.constant 0 : i32
      %sign3A_106 = arith.cmpi slt, %jit3A, %sign3A_105 : i32
      %sign3A_107 = arith.extui %sign3A_106 : i1 to i32
      %sign3A_108 = arith.subi %sign3A_104, %sign3A_107 : i32
      %ne3A = arith.cmpi ne, %sign3A_101, %sign3A_108 : i32
      %rem3A = arith.remsi %scan3A_94, %jit3A : i32
      %ne3A_109 = arith.constant 0 : i32
      %ne3A_110 = arith.cmpi ne, %rem3A, %ne3A_109 : i32
      %and3A = arith.andi %ne3A, %ne3A_110 : i1
      %sub3A = arith.constant 1 : i32
      %sub3A_111 = arith.subi %div3A, %sub3A : i32
      %select_n3A = arith.select %and3A, %sub3A_111, %div3A : i32
      %jit3A_112 = arith.constant 8 : i32
      %eq3A = arith.constant 0 : i32
      %eq3A_113 = arith.cmpi eq, %jit3A_112, %eq3A : i32
      %jit3A_114 = arith.constant 1 : i32
      %select_n3A_115 = arith.select %eq3A_113, %jit3A_114, %jit3A_112 : i32
      %rem3A_116 = arith.remsi %scan3A_94, %select_n3A_115 : i32
      %ne3A_117 = arith.constant 0 : i32
      %ne3A_118 = arith.cmpi ne, %rem3A_116, %ne3A_117 : i32
      %lt3A_119 = arith.constant 0 : i32
      %lt3A_120 = arith.cmpi slt, %rem3A_116, %lt3A_119 : i32
      %lt3A_121 = arith.constant 0 : i32
      %lt3A_122 = arith.cmpi slt, %select_n3A_115, %lt3A_121 : i32
      %ne3A_123 = arith.xori %lt3A_120, %lt3A_122 : i1
      %and3A_124 = arith.andi %ne3A_123, %ne3A_118 : i1
      %add3A_125 = arith.addi %rem3A_116, %select_n3A_115 : i32
      %select_n3A_126 = arith.select %and3A_124, %add3A_125, %rem3A_116 : i32
      %mul3A_127 = arith.constant 16 : i32
      %mul3A_128 = arith.muli %select_n3A_126, %mul3A_127 : i32
      %swap3A = arith.index_cast %select_n3A : i32 to index
      %swap3A_129 = arith.index_cast %mul3A_128 : i32 to index
      %swap3A_130 = tpu.vector_load %arg6[%swap3A, %swap3A_129] {strides = array<i32>} : memref<128x128xf32, #tpu.memory_space<vmem>>, vector<1x16xf32>,
      %swap3A_131 = vector.shape_cast %swap3A_130 : vector<1x16xf32> to vector<16xf32>
      %swap3A_132 = vector.shape_cast %broadcast_in_dim3A_95 : vector<16xf32> to vector<1x16xf32>
      tpu.vector_store %arg6[%swap3A, %swap3A_129], %swap3A_132 {strides = array<i32>} : memref<128x128xf32, #tpu.memory_space<vmem>>, vector<1x16xf32>,
    }
    %scan3A_5 = arith.constant 1024 : i32
    %mul3A_6 = arith.constant 640 : i32
    %mul3A_7 = arith.muli %arg1, %mul3A_6 : i32
    %add3A_8 = arith.constant 0 : i32
    %add3A_9 = arith.addi %mul3A_7, %add3A_8 : i32
    "tpu.region"() ({
      %run_scoped3A = tpu.sem_alloc : memref<!tpu.dma_semaphore, #tpu.memory_space<semaphore_mem>>
      %dma_start3A_94 = arith.constant 0 : i32
      %dma_start3A_95 = tpu.memref_slice %arg8[%add3A_9, %dma_start3A_94] : memref<10240x128xf32, #tpu.memory_space<vmem_shared>> -> memref<128x128xf32, #tpu.memory_space<vmem_shared>>
      %dma_start3A_96 = arith.constant 0 : i32
      %dma_start3A_97 = tpu.memref_slice %arg8[%add3A_9, %dma_start3A_96] : memref<10240x128xf32, #tpu.memory_space<vmem_shared>> -> memref<128x128xf32, #tpu.memory_space<vmem_shared>>
      tpu.enqueue_dma source(%arg6 : memref<128x128xf32, #tpu.memory_space<vmem>>) target(%dma_start3A_97 : memref<128x128xf32, #tpu.memory_space<vmem_shared>>) target_semaphore(%run_scoped3A : memref<!tpu.dma_semaphore, #tpu.memory_space<semaphore_mem>>)
      %dma_wait3A_98 = arith.constant 0 : i32
      %dma_wait3A_99 = tpu.memref_slice %arg8[%add3A_9, %dma_wait3A_98] : memref<10240x128xf32, #tpu.memory_space<vmem_shared>> -> memref<128x128xf32, #tpu.memory_space<vmem_shared>>
      %dma_wait3A_100 = arith.constant 0 : i32
      %dma_wait3A_101 = tpu.memref_slice %arg8[%add3A_9, %dma_wait3A_100] : memref<10240x128xf32, #tpu.memory_space<vmem_shared>> -> memref<128x128xf32, #tpu.memory_space<vmem_shared>>
      tpu.wait_dma2 semaphore(%run_scoped3A : memref<!tpu.dma_semaphore, #tpu.memory_space<semaphore_mem>>) src(%arg6 : memref<128x128xf32, #tpu.memory_space<vmem>>) dst(%dma_wait3A_101 : memref<128x128xf32, #tpu.memory_space<vmem_shared>>)
      tpu.yield
    }) : () -> ()
    %add3A_10 = arith.constant 128 : i32
    %add3A_11 = arith.addi %mul3A_7, %add3A_10 : i32
    "tpu.region"() ({
      %run_scoped3A = tpu.sem_alloc : memref<!tpu.dma_semaphore, #tpu.memory_space<semaphore_mem>>
      %dma_start3A_94 = arith.constant 0 : i32
      %dma_start3A_95 = tpu.memref_slice %arg8[%add3A_11, %dma_start3A_94] : memref<10240x128xf32, #tpu.memory_space<vmem_shared>> -> memref<128x128xf32, #tpu.memory_space<vmem_shared>>
      %dma_start3A_96 = arith.constant 0 : i32
      %dma_start3A_97 = tpu.memref_slice %arg8[%add3A_11, %dma_start3A_96] : memref<10240x128xf32, #tpu.memory_space<vmem_shared>> -> memref<128x128xf32, #tpu.memory_space<vmem_shared>>
      tpu.enqueue_dma source(%arg6 : memref<128x128xf32, #tpu.memory_space<vmem>>) target(%dma_start3A_97 : memref<128x128xf32, #tpu.memory_space<vmem_shared>>) target_semaphore(%run_scoped3A : memref<!tpu.dma_semaphore, #tpu.memory_space<semaphore_mem>>)
      %dma_wait3A_98 = arith.constant 0 : i32
      %dma_wait3A_99 = tpu.memref_slice %arg8[%add3A_11, %dma_wait3A_98] : memref<10240x128xf32, #tpu.memory_space<vmem_shared>> -> memref<128x128xf32, #tpu.memory_space<vmem_shared>>
      %dma_wait3A_100 = arith.constant 0 : i32
      %dma_wait3A_101 = tpu.memref_slice %arg8[%add3A_11, %dma_wait3A_100] : memref<10240x128xf32, #tpu.memory_space<vmem_shared>> -> memref<128x128xf32, #tpu.memory_space<vmem_shared>>
      tpu.wait_dma2 semaphore(%run_scoped3A : memref<!tpu.dma_semaphore, #tpu.memory_space<semaphore_mem>>) src(%arg6 : memref<128x128xf32, #tpu.memory_space<vmem>>) dst(%dma_wait3A_101 : memref<128x128xf32, #tpu.memory_space<vmem_shared>>)
      tpu.yield
    }) : () -> ()
    %add3A_12 = arith.constant 256 : i32
    %add3A_13 = arith.addi %mul3A_7, %add3A_12 : i32
    "tpu.region"() ({
      %run_scoped3A = tpu.sem_alloc : memref<!tpu.dma_semaphore, #tpu.memory_space<semaphore_mem>>
      %dma_start3A_94 = arith.constant 0 : i32
      %dma_start3A_95 = tpu.memref_slice %arg8[%add3A_13, %dma_start3A_94] : memref<10240x128xf32, #tpu.memory_space<vmem_shared>> -> memref<128x128xf32, #tpu.memory_space<vmem_shared>>
      %dma_start3A_96 = arith.constant 0 : i32
      %dma_start3A_97 = tpu.memref_slice %arg8[%add3A_13, %dma_start3A_96] : memref<10240x128xf32, #tpu.memory_space<vmem_shared>> -> memref<128x128xf32, #tpu.memory_space<vmem_shared>>
      tpu.enqueue_dma source(%arg6 : memref<128x128xf32, #tpu.memory_space<vmem>>) target(%dma_start3A_97 : memref<128x128xf32, #tpu.memory_space<vmem_shared>>) target_semaphore(%run_scoped3A : memref<!tpu.dma_semaphore, #tpu.memory_space<semaphore_mem>>)
      %dma_wait3A_98 = arith.constant 0 : i32
      %dma_wait3A_99 = tpu.memref_slice %arg8[%add3A_13, %dma_wait3A_98] : memref<10240x128xf32, #tpu.memory_space<vmem_shared>> -> memref<128x128xf32, #tpu.memory_space<vmem_shared>>
      %dma_wait3A_100 = arith.constant 0 : i32
      %dma_wait3A_101 = tpu.memref_slice %arg8[%add3A_13, %dma_wait3A_100] : memref<10240x128xf32, #tpu.memory_space<vmem_shared>> -> memref<128x128xf32, #tpu.memory_space<vmem_shared>>
      tpu.wait_dma2 semaphore(%run_scoped3A : memref<!tpu.dma_semaphore, #tpu.memory_space<semaphore_mem>>) src(%arg6 : memref<128x128xf32, #tpu.memory_space<vmem>>) dst(%dma_wait3A_101 : memref<128x128xf32, #tpu.memory_space<vmem_shared>>)
      tpu.yield
    }) : () -> ()
    %add3A_14 = arith.constant 384 : i32
    %add3A_15 = arith.addi %mul3A_7, %add3A_14 : i32
    "tpu.region"() ({
      %run_scoped3A = tpu.sem_alloc : memref<!tpu.dma_semaphore, #tpu.memory_space<semaphore_mem>>
      %dma_start3A_94 = arith.constant 0 : i32
      %dma_start3A_95 = tpu.memref_slice %arg8[%add3A_15, %dma_start3A_94] : memref<10240x128xf32, #tpu.memory_space<vmem_shared>> -> memref<128x128xf32, #tpu.memory_space<vmem_shared>>
      %dma_start3A_96 = arith.constant 0 : i32
      %dma_start3A_97 = tpu.memref_slice %arg8[%add3A_15, %dma_start3A_96] : memref<10240x128xf32, #tpu.memory_space<vmem_shared>> -> memref<128x128xf32, #tpu.memory_space<vmem_shared>>
      tpu.enqueue_dma source(%arg6 : memref<128x128xf32, #tpu.memory_space<vmem>>) target(%dma_start3A_97 : memref<128x128xf32, #tpu.memory_space<vmem_shared>>) target_semaphore(%run_scoped3A : memref<!tpu.dma_semaphore, #tpu.memory_space<semaphore_mem>>)
      %dma_wait3A_98 = arith.constant 0 : i32
      %dma_wait3A_99 = tpu.memref_slice %arg8[%add3A_15, %dma_wait3A_98] : memref<10240x128xf32, #tpu.memory_space<vmem_shared>> -> memref<128x128xf32, #tpu.memory_space<vmem_shared>>
      %dma_wait3A_100 = arith.constant 0 : i32
      %dma_wait3A_101 = tpu.memref_slice %arg8[%add3A_15, %dma_wait3A_100] : memref<10240x128xf32, #tpu.memory_space<vmem_shared>> -> memref<128x128xf32, #tpu.memory_space<vmem_shared>>
      tpu.wait_dma2 semaphore(%run_scoped3A : memref<!tpu.dma_semaphore, #tpu.memory_space<semaphore_mem>>) src(%arg6 : memref<128x128xf32, #tpu.memory_space<vmem>>) dst(%dma_wait3A_101 : memref<128x128xf32, #tpu.memory_space<vmem_shared>>)
      tpu.yield
    }) : () -> ()
    %add3A_16 = arith.constant 512 : i32
    %add3A_17 = arith.addi %mul3A_7, %add3A_16 : i32
    "tpu.region"() ({
      %run_scoped3A = tpu.sem_alloc : memref<!tpu.dma_semaphore, #tpu.memory_space<semaphore_mem>>
      %dma_start3A_94 = arith.constant 0 : i32
      %dma_start3A_95 = tpu.memref_slice %arg8[%add3A_17, %dma_start3A_94] : memref<10240x128xf32, #tpu.memory_space<vmem_shared>> -> memref<128x128xf32, #tpu.memory_space<vmem_shared>>
      %dma_start3A_96 = arith.constant 0 : i32
      %dma_start3A_97 = tpu.memref_slice %arg8[%add3A_17, %dma_start3A_96] : memref<10240x128xf32, #tpu.memory_space<vmem_shared>> -> memref<128x128xf32, #tpu.memory_space<vmem_shared>>
      tpu.enqueue_dma source(%arg6 : memref<128x128xf32, #tpu.memory_space<vmem>>) target(%dma_start3A_97 : memref<128x128xf32, #tpu.memory_space<vmem_shared>>) target_semaphore(%run_scoped3A : memref<!tpu.dma_semaphore, #tpu.memory_space<semaphore_mem>>)
      %dma_wait3A_98 = arith.constant 0 : i32
      %dma_wait3A_99 = tpu.memref_slice %arg8[%add3A_17, %dma_wait3A_98] : memref<10240x128xf32, #tpu.memory_space<vmem_shared>> -> memref<128x128xf32, #tpu.memory_space<vmem_shared>>
      %dma_wait3A_100 = arith.constant 0 : i32
      %dma_wait3A_101 = tpu.memref_slice %arg8[%add3A_17, %dma_wait3A_100] : memref<10240x128xf32, #tpu.memory_space<vmem_shared>> -> memref<128x128xf32, #tpu.memory_space<vmem_shared>>
      tpu.wait_dma2 semaphore(%run_scoped3A : memref<!tpu.dma_semaphore, #tpu.memory_space<semaphore_mem>>) src(%arg6 : memref<128x128xf32, #tpu.memory_space<vmem>>) dst(%dma_wait3A_101 : memref<128x128xf32, #tpu.memory_space<vmem_shared>>)
      tpu.yield
    }) : () -> ()
    %mul3A_18 = arith.constant 78 : i32
    %mul3A_19 = arith.muli %add3A, %mul3A_18 : i32
    "tpu.region"() ({
      %run_scoped3A = tpu.sem_alloc : memref<!tpu.dma_semaphore, #tpu.memory_space<semaphore_mem>>
      %dma_start3A_94 = arith.constant 0 : i32
      %dma_start3A_95 = arith.constant 0 : i32
      %dma_start3A_96 = arith.constant 0 : i32
      %dma_start3A_97 = tpu.memref_slice %arg5[%dma_start3A_94, %dma_start3A_95, %dma_start3A_96] : memref<79x1x128xi32, #tpu.memory_space<vmem>> -> memref<78x1x128xi32, #tpu.memory_space<vmem>>
      %dma_start3A_98 = arith.constant 0 : i32
      %dma_start3A_99 = arith.constant 0 : i32
      %dma_start3A_100 = tpu.memref_slice %arg3[%mul3A_19, %dma_start3A_98, %dma_start3A_99] : memref<2500x1x128xi32, #tpu.memory_space<hbm>> -> memref<78x1x128xi32, #tpu.memory_space<hbm>>
      %dma_start3A_101 = arith.constant 0 : i32
      %dma_start3A_102 = arith.constant 0 : i32
      %dma_start3A_103 = arith.constant 0 : i32
      %dma_start3A_104 = tpu.memref_slice %arg5[%dma_start3A_101, %dma_start3A_102, %dma_start3A_103] : memref<79x1x128xi32, #tpu.memory_space<vmem>> -> memref<78x1x128xi32, #tpu.memory_space<vmem>>
      %dma_start3A_105 = arith.constant 0 : i32
      %dma_start3A_106 = arith.constant 0 : i32
      %dma_start3A_107 = tpu.memref_slice %arg3[%mul3A_19, %dma_start3A_105, %dma_start3A_106] : memref<2500x1x128xi32, #tpu.memory_space<hbm>> -> memref<78x1x128xi32, #tpu.memory_space<hbm>>
      tpu.enqueue_dma source(%dma_start3A_107 : memref<78x1x128xi32, #tpu.memory_space<hbm>>) target(%dma_start3A_104 : memref<78x1x128xi32, #tpu.memory_space<vmem>>) target_semaphore(%run_scoped3A : memref<!tpu.dma_semaphore, #tpu.memory_space<semaphore_mem>>)
      %dma_wait3A_108 = arith.constant 0 : i32
      %dma_wait3A_109 = arith.constant 0 : i32
      %dma_wait3A_110 = arith.constant 0 : i32
      %dma_wait3A_111 = tpu.memref_slice %arg5[%dma_wait3A_108, %dma_wait3A_109, %dma_wait3A_110] : memref<79x1x128xi32, #tpu.memory_space<vmem>> -> memref<78x1x128xi32, #tpu.memory_space<vmem>>
      %dma_wait3A_112 = arith.constant 0 : i32
      %dma_wait3A_113 = arith.constant 0 : i32
      %dma_wait3A_114 = tpu.memref_slice %arg3[%mul3A_19, %dma_wait3A_112, %dma_wait3A_113] : memref<2500x1x128xi32, #tpu.memory_space<hbm>> -> memref<78x1x128xi32, #tpu.memory_space<hbm>>
      %dma_wait3A_115 = arith.constant 0 : i32
      %dma_wait3A_116 = arith.constant 0 : i32
      %dma_wait3A_117 = arith.constant 0 : i32
      %dma_wait3A_118 = tpu.memref_slice %arg5[%dma_wait3A_115, %dma_wait3A_116, %dma_wait3A_117] : memref<79x1x128xi32, #tpu.memory_space<vmem>> -> memref<78x1x128xi32, #tpu.memory_space<vmem>>
      %dma_wait3A_119 = arith.constant 0 : i32
      %dma_wait3A_120 = arith.constant 0 : i32
      %dma_wait3A_121 = tpu.memref_slice %arg3[%mul3A_19, %dma_wait3A_119, %dma_wait3A_120] : memref<2500x1x128xi32, #tpu.memory_space<hbm>> -> memref<78x1x128xi32, #tpu.memory_space<hbm>>
      tpu.wait_dma2 semaphore(%run_scoped3A : memref<!tpu.dma_semaphore, #tpu.memory_space<semaphore_mem>>) src(%dma_wait3A_121 : memref<78x1x128xi32, #tpu.memory_space<hbm>>) dst(%dma_wait3A_118 : memref<78x1x128xi32, #tpu.memory_space<vmem>>)
      tpu.yield
    }) : () -> ()
    %lt3A = arith.constant 4 : i32
    %lt3A_20 = arith.cmpi slt, %add3A, %lt3A : i32
    %convert_element_type3A = arith.extui %lt3A_20 : i1 to i32
    %cond3A = arith.constant 0 : i32
    %cond3A_21 = arith.cmpi ne, %convert_element_type3A, %cond3A : i32
    scf.if %cond3A_21 {
      %add3A_94 = arith.constant 2496 : i32
      %add3A_95 = arith.addi %add3A_94, %add3A : i32
      "tpu.region"() ({
        %run_scoped3A = tpu.sem_alloc : memref<!tpu.dma_semaphore, #tpu.memory_space<semaphore_mem>>
        %dma_start3A_96 = arith.constant 78 : i32
        %dma_start3A_97 = arith.constant 0 : i32
        %dma_start3A_98 = arith.constant 0 : i32
        %dma_start3A_99 = tpu.memref_slice %arg5[%dma_start3A_96, %dma_start3A_97, %dma_start3A_98] : memref<79x1x128xi32, #tpu.memory_space<vmem>> -> memref<1x1x128xi32, #tpu.memory_space<vmem>>
        %dma_start3A_100 = arith.constant 0 : i32
        %dma_start3A_101 = arith.constant 0 : i32
        %dma_start3A_102 = tpu.memref_slice %arg3[%add3A_95, %dma_start3A_100, %dma_start3A_101] : memref<2500x1x128xi32, #tpu.memory_space<hbm>> -> memref<1x1x128xi32, #tpu.memory_space<hbm>>
        %dma_start3A_103 = arith.constant 78 : i32
        %dma_start3A_104 = arith.constant 0 : i32
        %dma_start3A_105 = arith.constant 0 : i32
        %dma_start3A_106 = tpu.memref_slice %arg5[%dma_start3A_103, %dma_start3A_104, %dma_start3A_105] : memref<79x1x128xi32, #tpu.memory_space<vmem>> -> memref<1x1x128xi32, #tpu.memory_space<vmem>>
        %dma_start3A_107 = arith.constant 0 : i32
        %dma_start3A_108 = arith.constant 0 : i32
        %dma_start3A_109 = tpu.memref_slice %arg3[%add3A_95, %dma_start3A_107, %dma_start3A_108] : memref<2500x1x128xi32, #tpu.memory_space<hbm>> -> memref<1x1x128xi32, #tpu.memory_space<hbm>>
        tpu.enqueue_dma source(%dma_start3A_109 : memref<1x1x128xi32, #tpu.memory_space<hbm>>) target(%dma_start3A_106 : memref<1x1x128xi32, #tpu.memory_space<vmem>>) target_semaphore(%run_scoped3A : memref<!tpu.dma_semaphore, #tpu.memory_space<semaphore_mem>>)
        %dma_wait3A_110 = arith.constant 78 : i32
        %dma_wait3A_111 = arith.constant 0 : i32
        %dma_wait3A_112 = arith.constant 0 : i32
        %dma_wait3A_113 = tpu.memref_slice %arg5[%dma_wait3A_110, %dma_wait3A_111, %dma_wait3A_112] : memref<79x1x128xi32, #tpu.memory_space<vmem>> -> memref<1x1x128xi32, #tpu.memory_space<vmem>>
        %dma_wait3A_114 = arith.constant 0 : i32
        %dma_wait3A_115 = arith.constant 0 : i32
        %dma_wait3A_116 = tpu.memref_slice %arg3[%add3A_95, %dma_wait3A_114, %dma_wait3A_115] : memref<2500x1x128xi32, #tpu.memory_space<hbm>> -> memref<1x1x128xi32, #tpu.memory_space<hbm>>
        %dma_wait3A_117 = arith.constant 78 : i32
        %dma_wait3A_118 = arith.constant 0 : i32
        %dma_wait3A_119 = arith.constant 0 : i32
        %dma_wait3A_120 = tpu.memref_slice %arg5[%dma_wait3A_117, %dma_wait3A_118, %dma_wait3A_119] : memref<79x1x128xi32, #tpu.memory_space<vmem>> -> memref<1x1x128xi32, #tpu.memory_space<vmem>>
        %dma_wait3A_121 = arith.constant 0 : i32
        %dma_wait3A_122 = arith.constant 0 : i32
        %dma_wait3A_123 = tpu.memref_slice %arg3[%add3A_95, %dma_wait3A_121, %dma_wait3A_122] : memref<2500x1x128xi32, #tpu.memory_space<hbm>> -> memref<1x1x128xi32, #tpu.memory_space<hbm>>
        tpu.wait_dma2 semaphore(%run_scoped3A : memref<!tpu.dma_semaphore, #tpu.memory_space<semaphore_mem>>) src(%dma_wait3A_123 : memref<1x1x128xi32, #tpu.memory_space<hbm>>) dst(%dma_wait3A_120 : memref<1x1x128xi32, #tpu.memory_space<vmem>>)
        tpu.yield
      }) : () -> ()
    } else {
    }
    %barrier3A = arith.constant 0 : index
    tpu.barrier barrier_id(%barrier3A)
    %mul3A_22 = arith.constant 78 : i32
    %mul3A_23 = arith.muli %add3A, %mul3A_22 : i32
    %add3A_24 = arith.constant 0 : i32
    %add3A_25 = arith.addi %mul3A_23, %add3A_24 : i32
    %mul3A_26 = arith.constant 128 : i32
    %mul3A_27 = arith.muli %add3A_25, %mul3A_26 : i32
    %dma_start3A = arith.constant 0 : i32
    %dma_start3A_28 = tpu.memref_slice %arg2[%mul3A_27, %dma_start3A] : memref<320000x128xf32, #tpu.memory_space<hbm>> -> memref<128x128xf32, #tpu.memory_space<hbm>>
    %dma_start3A_29 = arith.constant 0 : i32
    %dma_start3A_30 = tpu.memref_slice %arg2[%mul3A_27, %dma_start3A_29] : memref<320000x128xf32, #tpu.memory_space<hbm>> -> memref<128x128xf32, #tpu.memory_space<hbm>>
    tpu.enqueue_dma source(%dma_start3A_30 : memref<128x128xf32, #tpu.memory_space<hbm>>) target(%arg6 : memref<128x128xf32, #tpu.memory_space<vmem>>) target_semaphore(%arg9 : memref<!tpu.dma_semaphore, #tpu.memory_space<semaphore_mem>>)
    %add3A_31 = arith.constant 1 : i32
    %add3A_32 = arith.addi %mul3A_23, %add3A_31 : i32
    %mul3A_33 = arith.constant 128 : i32
    %mul3A_34 = arith.muli %add3A_32, %mul3A_33 : i32
    %dma_start3A_35 = arith.constant 0 : i32
    %dma_start3A_36 = tpu.memref_slice %arg2[%mul3A_34, %dma_start3A_35] : memref<320000x128xf32, #tpu.memory_space<hbm>> -> memref<128x128xf32, #tpu.memory_space<hbm>>
    %dma_start3A_37 = arith.constant 0 : i32
    %dma_start3A_38 = tpu.memref_slice %arg2[%mul3A_34, %dma_start3A_37] : memref<320000x128xf32, #tpu.memory_space<hbm>> -> memref<128x128xf32, #tpu.memory_space<hbm>>
    tpu.enqueue_dma source(%dma_start3A_38 : memref<128x128xf32, #tpu.memory_space<hbm>>) target(%arg7 : memref<128x128xf32, #tpu.memory_space<vmem>>) target_semaphore(%arg10 : memref<!tpu.dma_semaphore, #tpu.memory_space<semaphore_mem>>)
    %dma_wait3A = arith.constant 0 : i32
    %dma_wait3A_39 = arith.constant 0 : i32
    %dma_wait3A_40 = tpu.memref_slice %arg2[%dma_wait3A, %dma_wait3A_39] : memref<320000x128xf32, #tpu.memory_space<hbm>> -> memref<128x128xf32, #tpu.memory_space<hbm>>
    %dma_wait3A_41 = arith.constant 0 : i32
    %dma_wait3A_42 = arith.constant 0 : i32
    %dma_wait3A_43 = tpu.memref_slice %arg2[%dma_wait3A_41, %dma_wait3A_42] : memref<320000x128xf32, #tpu.memory_space<hbm>> -> memref<128x128xf32, #tpu.memory_space<hbm>>
    tpu.wait_dma2 semaphore(%arg9 : memref<!tpu.dma_semaphore, #tpu.memory_space<semaphore_mem>>) src(%dma_wait3A_43 : memref<128x128xf32, #tpu.memory_space<hbm>>) dst(%arg6 : memref<128x128xf32, #tpu.memory_space<vmem>>)
    %dma_start3A_44 = arith.constant 0 : i32
    %dma_start3A_45 = arith.constant 0 : i32
    %dma_start3A_46 = arith.constant 0 : i32
    %dma_start3A_47 = tpu.memref_slice %arg5[%dma_start3A_44, %dma_start3A_45, %dma_start3A_46] : memref<79x1x128xi32, #tpu.memory_space<vmem>> -> memref<1x1x128xi32, #tpu.memory_space<vmem>>
    %dma_start3A_48 = tpu.memref_squeeze %dma_start3A_47 : memref<1x1x128xi32, #tpu.memory_space<vmem>> -> memref<128xi32, #tpu.memory_space<vmem>>
    %dma_start3A_49 = arith.constant 0 : i32
    %dma_start3A_50 = arith.constant 0 : i32
    %dma_start3A_51 = tpu.memref_slice %arg8[%dma_start3A_49, %dma_start3A_50] : memref<10240x128xf32, #tpu.memory_space<vmem_shared>> -> memref<10240x128xf32, #tpu.memory_space<vmem_shared>>
    tpu.enqueue_indirect_dma source(%arg6 : memref<128x128xf32, #tpu.memory_space<vmem>>) target(%dma_start3A_51 : memref<10240x128xf32, #tpu.memory_space<vmem_shared>>) offsets(%dma_start3A_48 : memref<128xi32, #tpu.memory_space<vmem>>) semaphore(%arg11 : memref<!tpu.dma_semaphore, #tpu.memory_space<semaphore_mem>>) {add = true}
    %scan3A_52 = arith.constant 0 : i32
    %scan3A_53 = arith.constant 1 : i32
    %scan3A_54 = arith.constant 38 : i32
    %scan3A_55 = arith.addi %scan3A_53, %scan3A_54 : i32
    %scan3A_56 = arith.constant 1 : i32
    scf.for %scan3A_94 = %scan3A_53 to %scan3A_55 step %scan3A_56  : i32 {
      %mul3A_95 = arith.constant 2 : i32
      %mul3A_96 = arith.muli %mul3A_95, %scan3A_94 : i32
      %dma_wait3A_97 = arith.constant 0 : i32
      %dma_wait3A_98 = arith.constant 0 : i32
      %dma_wait3A_99 = arith.constant 0 : i32
      %dma_wait3A_100 = tpu.memref_slice %arg5[%dma_wait3A_97, %dma_wait3A_98, %dma_wait3A_99] : memref<79x1x128xi32, #tpu.memory_space<vmem>> -> memref<1x1x128xi32, #tpu.memory_space<vmem>>
      %dma_wait3A_101 = tpu.memref_squeeze %dma_wait3A_100 : memref<1x1x128xi32, #tpu.memory_space<vmem>> -> memref<128xi32, #tpu.memory_space<vmem>>
      %dma_wait3A_102 = arith.constant 0 : i32
      %dma_wait3A_103 = arith.constant 0 : i32
      %dma_wait3A_104 = tpu.memref_slice %arg8[%dma_wait3A_102, %dma_wait3A_103] : memref<10240x128xf32, #tpu.memory_space<vmem_shared>> -> memref<10240x128xf32, #tpu.memory_space<vmem_shared>>
      tpu.wait_indirect_dma semaphore(%arg11 : memref<!tpu.dma_semaphore, #tpu.memory_space<semaphore_mem>>) src(%arg6 : memref<128x128xf32, #tpu.memory_space<vmem>>) dst(%dma_wait3A_104 : memref<10240x128xf32, #tpu.memory_space<vmem_shared>>)
      %add3A_105 = arith.addi %mul3A_23, %mul3A_96 : i32
      %mul3A_106 = arith.constant 128 : i32
      %mul3A_107 = arith.muli %add3A_105, %mul3A_106 : i32
      %dma_start3A_108 = arith.constant 0 : i32
      %dma_start3A_109 = tpu.memref_slice %arg2[%mul3A_107, %dma_start3A_108] : memref<320000x128xf32, #tpu.memory_space<hbm>> -> memref<128x128xf32, #tpu.memory_space<hbm>>
      %dma_start3A_110 = arith.constant 0 : i32
      %dma_start3A_111 = tpu.memref_slice %arg2[%mul3A_107, %dma_start3A_110] : memref<320000x128xf32, #tpu.memory_space<hbm>> -> memref<128x128xf32, #tpu.memory_space<hbm>>
      tpu.enqueue_dma source(%dma_start3A_111 : memref<128x128xf32, #tpu.memory_space<hbm>>) target(%arg6 : memref<128x128xf32, #tpu.memory_space<vmem>>) target_semaphore(%arg9 : memref<!tpu.dma_semaphore, #tpu.memory_space<semaphore_mem>>)
      %dma_wait3A_112 = arith.constant 0 : i32
      %dma_wait3A_113 = arith.constant 0 : i32
      %dma_wait3A_114 = tpu.memref_slice %arg2[%dma_wait3A_112, %dma_wait3A_113] : memref<320000x128xf32, #tpu.memory_space<hbm>> -> memref<128x128xf32, #tpu.memory_space<hbm>>
      %dma_wait3A_115 = arith.constant 0 : i32
      %dma_wait3A_116 = arith.constant 0 : i32
      %dma_wait3A_117 = tpu.memref_slice %arg2[%dma_wait3A_115, %dma_wait3A_116] : memref<320000x128xf32, #tpu.memory_space<hbm>> -> memref<128x128xf32, #tpu.memory_space<hbm>>
      tpu.wait_dma2 semaphore(%arg10 : memref<!tpu.dma_semaphore, #tpu.memory_space<semaphore_mem>>) src(%dma_wait3A_117 : memref<128x128xf32, #tpu.memory_space<hbm>>) dst(%arg7 : memref<128x128xf32, #tpu.memory_space<vmem>>)
      %sub3A = arith.constant 1 : i32
      %sub3A_118 = arith.subi %mul3A_96, %sub3A : i32
      %dma_start3A_119 = arith.constant 0 : i32
      %dma_start3A_120 = arith.constant 0 : i32
      %dma_start3A_121 = tpu.memref_slice %arg5[%sub3A_118, %dma_start3A_119, %dma_start3A_120] : memref<79x1x128xi32, #tpu.memory_space<vmem>> -> memref<1x1x128xi32, #tpu.memory_space<vmem>>
      %dma_start3A_122 = tpu.memref_squeeze %dma_start3A_121 : memref<1x1x128xi32, #tpu.memory_space<vmem>> -> memref<128xi32, #tpu.memory_space<vmem>>
      %dma_start3A_123 = arith.constant 0 : i32
      %dma_start3A_124 = arith.constant 0 : i32
      %dma_start3A_125 = tpu.memref_slice %arg8[%dma_start3A_123, %dma_start3A_124] : memref<10240x128xf32, #tpu.memory_space<vmem_shared>> -> memref<10240x128xf32, #tpu.memory_space<vmem_shared>>
      tpu.enqueue_indirect_dma source(%arg7 : memref<128x128xf32, #tpu.memory_space<vmem>>) target(%dma_start3A_125 : memref<10240x128xf32, #tpu.memory_space<vmem_shared>>) offsets(%dma_start3A_122 : memref<128xi32, #tpu.memory_space<vmem>>) semaphore(%arg12 : memref<!tpu.dma_semaphore, #tpu.memory_space<semaphore_mem>>) {add = true}
      %dma_wait3A_126 = arith.constant 0 : i32
      %dma_wait3A_127 = arith.constant 0 : i32
      %dma_wait3A_128 = arith.constant 0 : i32
      %dma_wait3A_129 = tpu.memref_slice %arg5[%dma_wait3A_126, %dma_wait3A_127, %dma_wait3A_128] : memref<79x1x128xi32, #tpu.memory_space<vmem>> -> memref<1x1x128xi32, #tpu.memory_space<vmem>>
      %dma_wait3A_130 = tpu.memref_squeeze %dma_wait3A_129 : memref<1x1x128xi32, #tpu.memory_space<vmem>> -> memref<128xi32, #tpu.memory_space<vmem>>
      %dma_wait3A_131 = arith.constant 0 : i32
      %dma_wait3A_132 = arith.constant 0 : i32
      %dma_wait3A_133 = tpu.memref_slice %arg8[%dma_wait3A_131, %dma_wait3A_132] : memref<10240x128xf32, #tpu.memory_space<vmem_shared>> -> memref<10240x128xf32, #tpu.memory_space<vmem_shared>>
      tpu.wait_indirect_dma semaphore(%arg12 : memref<!tpu.dma_semaphore, #tpu.memory_space<semaphore_mem>>) src(%arg7 : memref<128x128xf32, #tpu.memory_space<vmem>>) dst(%dma_wait3A_133 : memref<10240x128xf32, #tpu.memory_space<vmem_shared>>)
      %add3A_134 = arith.constant 1 : i32
      %add3A_135 = arith.addi %mul3A_96, %add3A_134 : i32
      %add3A_136 = arith.addi %mul3A_23, %add3A_135 : i32
      %mul3A_137 = arith.constant 128 : i32
      %mul3A_138 = arith.muli %add3A_136, %mul3A_137 : i32
      %dma_start3A_139 = arith.constant 0 : i32
      %dma_start3A_140 = tpu.memref_slice %arg2[%mul3A_138, %dma_start3A_139] : memref<320000x128xf32, #tpu.memory_space<hbm>> -> memref<128x128xf32, #tpu.memory_space<hbm>>
      %dma_start3A_141 = arith.constant 0 : i32
      %dma_start3A_142 = tpu.memref_slice %arg2[%mul3A_138, %dma_start3A_141] : memref<320000x128xf32, #tpu.memory_space<hbm>> -> memref<128x128xf32, #tpu.memory_space<hbm>>
      tpu.enqueue_dma source(%dma_start3A_142 : memref<128x128xf32, #tpu.memory_space<hbm>>) target(%arg7 : memref<128x128xf32, #tpu.memory_space<vmem>>) target_semaphore(%arg10 : memref<!tpu.dma_semaphore, #tpu.memory_space<semaphore_mem>>)
      %dma_wait3A_143 = arith.constant 0 : i32
      %dma_wait3A_144 = arith.constant 0 : i32
      %dma_wait3A_145 = tpu.memref_slice %arg2[%dma_wait3A_143, %dma_wait3A_144] : memref<320000x128xf32, #tpu.memory_space<hbm>> -> memref<128x128xf32, #tpu.memory_space<hbm>>
      %dma_wait3A_146 = arith.constant 0 : i32
      %dma_wait3A_147 = arith.constant 0 : i32
      %dma_wait3A_148 = tpu.memref_slice %arg2[%dma_wait3A_146, %dma_wait3A_147] : memref<320000x128xf32, #tpu.memory_space<hbm>> -> memref<128x128xf32, #tpu.memory_space<hbm>>
      tpu.wait_dma2 semaphore(%arg9 : memref<!tpu.dma_semaphore, #tpu.memory_space<semaphore_mem>>) src(%dma_wait3A_148 : memref<128x128xf32, #tpu.memory_space<hbm>>) dst(%arg6 : memref<128x128xf32, #tpu.memory_space<vmem>>)
      %dma_start3A_149 = arith.constant 0 : i32
      %dma_start3A_150 = arith.constant 0 : i32
      %dma_start3A_151 = tpu.memref_slice %arg5[%mul3A_96, %dma_start3A_149, %dma_start3A_150] : memref<79x1x128xi32, #tpu.memory_space<vmem>> -> memref<1x1x128xi32, #tpu.memory_space<vmem>>
      %dma_start3A_152 = tpu.memref_squeeze %dma_start3A_151 : memref<1x1x128xi32, #tpu.memory_space<vmem>> -> memref<128xi32, #tpu.memory_space<vmem>>
      %dma_start3A_153 = arith.constant 0 : i32
      %dma_start3A_154 = arith.constant 0 : i32
      %dma_start3A_155 = tpu.memref_slice %arg8[%dma_start3A_153, %dma_start3A_154] : memref<10240x128xf32, #tpu.memory_space<vmem_shared>> -> memref<10240x128xf32, #tpu.memory_space<vmem_shared>>
      tpu.enqueue_indirect_dma source(%arg6 : memref<128x128xf32, #tpu.memory_space<vmem>>) target(%dma_start3A_155 : memref<10240x128xf32, #tpu.memory_space<vmem_shared>>) offsets(%dma_start3A_152 : memref<128xi32, #tpu.memory_space<vmem>>) semaphore(%arg11 : memref<!tpu.dma_semaphore, #tpu.memory_space<semaphore_mem>>) {add = true}
    }
    %scan3A_57 = arith.constant 38 : i32
    %dma_wait3A_58 = arith.constant 0 : i32
    %dma_wait3A_59 = arith.constant 0 : i32
    %dma_wait3A_60 = tpu.memref_slice %arg2[%dma_wait3A_58, %dma_wait3A_59] : memref<320000x128xf32, #tpu.memory_space<hbm>> -> memref<128x128xf32, #tpu.memory_space<hbm>>
    %dma_wait3A_61 = arith.constant 0 : i32
    %dma_wait3A_62 = arith.constant 0 : i32
    %dma_wait3A_63 = tpu.memref_slice %arg2[%dma_wait3A_61, %dma_wait3A_62] : memref<320000x128xf32, #tpu.memory_space<hbm>> -> memref<128x128xf32, #tpu.memory_space<hbm>>
    tpu.wait_dma2 semaphore(%arg10 : memref<!tpu.dma_semaphore, #tpu.memory_space<semaphore_mem>>) src(%dma_wait3A_63 : memref<128x128xf32, #tpu.memory_space<hbm>>) dst(%arg7 : memref<128x128xf32, #tpu.memory_space<vmem>>)
    %dma_start3A_64 = arith.constant 77 : i32
    %dma_start3A_65 = arith.constant 0 : i32
    %dma_start3A_66 = arith.constant 0 : i32
    %dma_start3A_67 = tpu.memref_slice %arg5[%dma_start3A_64, %dma_start3A_65, %dma_start3A_66] : memref<79x1x128xi32, #tpu.memory_space<vmem>> -> memref<1x1x128xi32, #tpu.memory_space<vmem>>
    %dma_start3A_68 = tpu.memref_squeeze %dma_start3A_67 : memref<1x1x128xi32, #tpu.memory_space<vmem>> -> memref<128xi32, #tpu.memory_space<vmem>>
    %dma_start3A_69 = arith.constant 0 : i32
    %dma_start3A_70 = arith.constant 0 : i32
    %dma_start3A_71 = tpu.memref_slice %arg8[%dma_start3A_69, %dma_start3A_70] : memref<10240x128xf32, #tpu.memory_space<vmem_shared>> -> memref<10240x128xf32, #tpu.memory_space<vmem_shared>>
    tpu.enqueue_indirect_dma source(%arg7 : memref<128x128xf32, #tpu.memory_space<vmem>>) target(%dma_start3A_71 : memref<10240x128xf32, #tpu.memory_space<vmem_shared>>) offsets(%dma_start3A_68 : memref<128xi32, #tpu.memory_space<vmem>>) semaphore(%arg12 : memref<!tpu.dma_semaphore, #tpu.memory_space<semaphore_mem>>) {add = true}
    %dma_wait3A_72 = arith.constant 0 : i32
    %dma_wait3A_73 = arith.constant 0 : i32
    %dma_wait3A_74 = arith.constant 0 : i32
    %dma_wait3A_75 = tpu.memref_slice %arg5[%dma_wait3A_72, %dma_wait3A_73, %dma_wait3A_74] : memref<79x1x128xi32, #tpu.memory_space<vmem>> -> memref<1x1x128xi32, #tpu.memory_space<vmem>>
    %dma_wait3A_76 = tpu.memref_squeeze %dma_wait3A_75 : memref<1x1x128xi32, #tpu.memory_space<vmem>> -> memref<128xi32, #tpu.memory_space<vmem>>
    %dma_wait3A_77 = arith.constant 0 : i32
    %dma_wait3A_78 = arith.constant 0 : i32
    %dma_wait3A_79 = tpu.memref_slice %arg8[%dma_wait3A_77, %dma_wait3A_78] : memref<10240x128xf32, #tpu.memory_space<vmem_shared>> -> memref<10240x128xf32, #tpu.memory_space<vmem_shared>>
    tpu.wait_indirect_dma semaphore(%arg11 : memref<!tpu.dma_semaphore, #tpu.memory_space<semaphore_mem>>) src(%arg6 : memref<128x128xf32, #tpu.memory_space<vmem>>) dst(%dma_wait3A_79 : memref<10240x128xf32, #tpu.memory_space<vmem_shared>>)
    %dma_wait3A_80 = arith.constant 0 : i32
    %dma_wait3A_81 = arith.constant 0 : i32
    %dma_wait3A_82 = arith.constant 0 : i32
    %dma_wait3A_83 = tpu.memref_slice %arg5[%dma_wait3A_80, %dma_wait3A_81, %dma_wait3A_82] : memref<79x1x128xi32, #tpu.memory_space<vmem>> -> memref<1x1x128xi32, #tpu.memory_space<vmem>>
    %dma_wait3A_84 = tpu.memref_squeeze %dma_wait3A_83 : memref<1x1x128xi32, #tpu.memory_space<vmem>> -> memref<128xi32, #tpu.memory_space<vmem>>
    %dma_wait3A_85 = arith.constant 0 : i32
    %dma_wait3A_86 = arith.constant 0 : i32
    %dma_wait3A_87 = tpu.memref_slice %arg8[%dma_wait3A_85, %dma_wait3A_86] : memref<10240x128xf32, #tpu.memory_space<vmem_shared>> -> memref<10240x128xf32, #tpu.memory_space<vmem_shared>>
    tpu.wait_indirect_dma semaphore(%arg12 : memref<!tpu.dma_semaphore, #tpu.memory_space<semaphore_mem>>) src(%arg7 : memref<128x128xf32, #tpu.memory_space<vmem>>) dst(%dma_wait3A_87 : memref<10240x128xf32, #tpu.memory_space<vmem_shared>>)
    %lt3A_88 = arith.constant 4 : i32
    %lt3A_89 = arith.cmpi slt, %add3A, %lt3A_88 : i32
    %convert_element_type3A_90 = arith.extui %lt3A_89 : i1 to i32
    %cond3A_91 = arith.constant 0 : i32
    %cond3A_92 = arith.cmpi ne, %convert_element_type3A_90, %cond3A_91 : i32
    scf.if %cond3A_92 {
      %add3A_94 = arith.constant 2496 : i32
      %add3A_95 = arith.addi %add3A_94, %add3A : i32
      %mul3A_96 = arith.constant 128 : i32
      %mul3A_97 = arith.muli %add3A_95, %mul3A_96 : i32
      "tpu.region"() ({
        %run_scoped3A_99 = tpu.sem_alloc : memref<!tpu.dma_semaphore, #tpu.memory_space<semaphore_mem>>
        %dma_start3A_100 = arith.constant 0 : i32
        %dma_start3A_101 = tpu.memref_slice %arg2[%mul3A_97, %dma_start3A_100] : memref<320000x128xf32, #tpu.memory_space<hbm>> -> memref<128x128xf32, #tpu.memory_space<hbm>>
        %dma_start3A_102 = arith.constant 0 : i32
        %dma_start3A_103 = tpu.memref_slice %arg2[%mul3A_97, %dma_start3A_102] : memref<320000x128xf32, #tpu.memory_space<hbm>> -> memref<128x128xf32, #tpu.memory_space<hbm>>
        tpu.enqueue_dma source(%dma_start3A_103 : memref<128x128xf32, #tpu.memory_space<hbm>>) target(%arg6 : memref<128x128xf32, #tpu.memory_space<vmem>>) target_semaphore(%run_scoped3A_99 : memref<!tpu.dma_semaphore, #tpu.memory_space<semaphore_mem>>)
        %dma_wait3A_104 = arith.constant 0 : i32
        %dma_wait3A_105 = tpu.memref_slice %arg2[%mul3A_97, %dma_wait3A_104] : memref<320000x128xf32, #tpu.memory_space<hbm>> -> memref<128x128xf32, #tpu.memory_space<hbm>>
        %dma_wait3A_106 = arith.constant 0 : i32
        %dma_wait3A_107 = tpu.memref_slice %arg2[%mul3A_97, %dma_wait3A_106] : memref<320000x128xf32, #tpu.memory_space<hbm>> -> memref<128x128xf32, #tpu.memory_space<hbm>>
        tpu.wait_dma2 semaphore(%run_scoped3A_99 : memref<!tpu.dma_semaphore, #tpu.memory_space<semaphore_mem>>) src(%dma_wait3A_107 : memref<128x128xf32, #tpu.memory_space<hbm>>) dst(%arg6 : memref<128x128xf32, #tpu.memory_space<vmem>>)
        tpu.yield
      }) : () -> ()
      %run_scoped3A = arith.constant 78 : i32
      %run_scoped3A_98 = arith.constant 0 : i32
      "tpu.region"() ({
        %run_scoped3A_99 = tpu.sem_alloc : memref<!tpu.dma_semaphore, #tpu.memory_space<semaphore_mem>>
        %dma_start3A_100 = arith.constant 0 : i32
        %dma_start3A_101 = tpu.memref_slice %arg5[%run_scoped3A, %run_scoped3A_98, %dma_start3A_100] : memref<79x1x128xi32, #tpu.memory_space<vmem>> -> memref<1x1x128xi32, #tpu.memory_space<vmem>>
        %dma_start3A_102 = tpu.memref_squeeze %dma_start3A_101 : memref<1x1x128xi32, #tpu.memory_space<vmem>> -> memref<128xi32, #tpu.memory_space<vmem>>
        %dma_start3A_103 = arith.constant 0 : i32
        %dma_start3A_104 = arith.constant 0 : i32
        %dma_start3A_105 = tpu.memref_slice %arg8[%dma_start3A_103, %dma_start3A_104] : memref<10240x128xf32, #tpu.memory_space<vmem_shared>> -> memref<10240x128xf32, #tpu.memory_space<vmem_shared>>
        tpu.enqueue_indirect_dma source(%arg6 : memref<128x128xf32, #tpu.memory_space<vmem>>) target(%dma_start3A_105 : memref<10240x128xf32, #tpu.memory_space<vmem_shared>>) offsets(%dma_start3A_102 : memref<128xi32, #tpu.memory_space<vmem>>) semaphore(%run_scoped3A_99 : memref<!tpu.dma_semaphore, #tpu.memory_space<semaphore_mem>>) {add = true}
        %dma_wait3A_106 = arith.constant 0 : i32
        %dma_wait3A_107 = tpu.memref_slice %arg5[%run_scoped3A, %run_scoped3A_98, %dma_wait3A_106] : memref<79x1x128xi32, #tpu.memory_space<vmem>> -> memref<1x1x128xi32, #tpu.memory_space<vmem>>
        %dma_wait3A_108 = tpu.memref_squeeze %dma_wait3A_107 : memref<1x1x128xi32, #tpu.memory_space<vmem>> -> memref<128xi32, #tpu.memory_space<vmem>>
        %dma_wait3A_109 = arith.constant 0 : i32
        %dma_wait3A_110 = arith.constant 0 : i32
        %dma_wait3A_111 = tpu.memref_slice %arg8[%dma_wait3A_109, %dma_wait3A_110] : memref<10240x128xf32, #tpu.memory_space<vmem_shared>> -> memref<10240x128xf32, #tpu.memory_space<vmem_shared>>
        tpu.wait_indirect_dma semaphore(%run_scoped3A_99 : memref<!tpu.dma_semaphore, #tpu.memory_space<semaphore_mem>>) src(%arg6 : memref<128x128xf32, #tpu.memory_space<vmem>>) dst(%dma_wait3A_111 : memref<10240x128xf32, #tpu.memory_space<vmem_shared>>)
        tpu.yield
      }) : () -> ()
    } else {
    }
    %barrier3A_93 = arith.constant 0 : index
    tpu.barrier barrier_id(%barrier3A_93)
    "tpu.region"() ({
      %run_scoped3A = tpu.sem_alloc : memref<!tpu.dma_semaphore, #tpu.memory_space<semaphore_mem>>
      %dma_start3A_94 = arith.constant 0 : i32
      %dma_start3A_95 = tpu.memref_slice %arg4[%arg0, %mul3A_7, %dma_start3A_94] : memref<2x10240x128xf32, #tpu.memory_space<hbm>> -> memref<1x640x128xf32, #tpu.memory_space<hbm>>
      %dma_start3A_96 = tpu.memref_squeeze %dma_start3A_95 : memref<1x640x128xf32, #tpu.memory_space<hbm>> -> memref<640x128xf32, #tpu.memory_space<hbm>>
      %dma_start3A_97 = arith.constant 0 : i32
      %dma_start3A_98 = tpu.memref_slice %arg8[%mul3A_7, %dma_start3A_97] : memref<10240x128xf32, #tpu.memory_space<vmem_shared>> -> memref<640x128xf32, #tpu.memory_space<vmem_shared>>
      tpu.enqueue_dma source(%dma_start3A_98 : memref<640x128xf32, #tpu.memory_space<vmem_shared>>) target(%dma_start3A_96 : memref<640x128xf32, #tpu.memory_space<hbm>>) target_semaphore(%run_scoped3A : memref<!tpu.dma_semaphore, #tpu.memory_space<semaphore_mem>>)
      %dma_wait3A_99 = arith.constant 0 : i32
      %dma_wait3A_100 = tpu.memref_slice %arg4[%arg0, %mul3A_7, %dma_wait3A_99] : memref<2x10240x128xf32, #tpu.memory_space<hbm>> -> memref<1x640x128xf32, #tpu.memory_space<hbm>>
      %dma_wait3A_101 = tpu.memref_squeeze %dma_wait3A_100 : memref<1x640x128xf32, #tpu.memory_space<hbm>> -> memref<640x128xf32, #tpu.memory_space<hbm>>
      %dma_wait3A_102 = arith.constant 0 : i32
      %dma_wait3A_103 = tpu.memref_slice %arg8[%mul3A_7, %dma_wait3A_102] : memref<10240x128xf32, #tpu.memory_space<vmem_shared>> -> memref<640x128xf32, #tpu.memory_space<vmem_shared>>
      tpu.wait_dma2 semaphore(%run_scoped3A : memref<!tpu.dma_semaphore, #tpu.memory_space<semaphore_mem>>) src(%dma_wait3A_103 : memref<640x128xf32, #tpu.memory_space<vmem_shared>>) dst(%dma_wait3A_101 : memref<640x128xf32, #tpu.memory_space<hbm>>)
      tpu.yield
    }) : () -> ()
    return
  }
}

module attributes {stable_mosaic.version = 14 : i64} {
  func.func @_mlp_body(%arg0: i32, %arg1: memref<2048x128xf32, #tpu.memory_space<vmem>>, %arg2: memref<2x2048x128xf32, #tpu.memory_space<vmem>>, %arg3: memref<128x512xf32, #tpu.memory_space<vmem>>, %arg4: memref<128x512xf32, #tpu.memory_space<vmem>>, %arg5: memref<1x512xf32, #tpu.memory_space<vmem>>, %arg6: memref<512x128xf32, #tpu.memory_space<vmem>>, %arg7: memref<1x128xf32, #tpu.memory_space<vmem>>, %arg8: memref<1x128xf32, #tpu.memory_space<vmem>>, %arg9: memref<1x128xf32, #tpu.memory_space<vmem>>, %arg10: memref<2048x128xf32, #tpu.memory_space<vmem>>) attributes {dimension_semantics = [#tpu.dimension_semantics<arbitrary>], iteration_bounds = array<i64: 5>, scalar_prefetch = 0 : i64, scratch_operands = 0 : i64, tpu.core_type = #tpu.core_type<tc>, window_params = [{transform_indices = @transform_0, window_bounds = array<i64: 2048, 128>}, {transform_indices = @transform_1, window_bounds = array<i64: 2, 2048, 128>}, {pipeline_mode = #tpu.pipeline_mode<synchronous>, transform_indices = @transform_2, window_bounds = array<i64: 128, 512>}, {pipeline_mode = #tpu.pipeline_mode<synchronous>, transform_indices = @transform_3, window_bounds = array<i64: 128, 512>}, {pipeline_mode = #tpu.pipeline_mode<synchronous>, transform_indices = @transform_4, window_bounds = array<i64: 1, 512>}, {pipeline_mode = #tpu.pipeline_mode<synchronous>, transform_indices = @transform_5, window_bounds = array<i64: 512, 128>}, {pipeline_mode = #tpu.pipeline_mode<synchronous>, transform_indices = @transform_6, window_bounds = array<i64: 1, 128>}, {pipeline_mode = #tpu.pipeline_mode<synchronous>, transform_indices = @transform_7, window_bounds = array<i64: 1, 128>}, {pipeline_mode = #tpu.pipeline_mode<synchronous>, transform_indices = @transform_8, window_bounds = array<i64: 1, 128>}, {transform_indices = @transform_9, window_bounds = array<i64: 2048, 128>}]} {
    %get3A = arith.constant 0 : index
    %get3A_0 = arith.constant 0 : index
    %get3A_1 = vector.load %arg1[%get3A, %get3A_0] : memref<2048x128xf32, #tpu.memory_space<vmem>>, vector<2048x128xf32>
    %get3A_2 = arith.constant 0 : index
    %get3A_3 = arith.constant 0 : index
    %get3A_4 = arith.constant 0 : index
    %get3A_5 = vector.load %arg2[%get3A_2, %get3A_3, %get3A_4] : memref<2x2048x128xf32, #tpu.memory_space<vmem>>, vector<1x2048x128xf32>
    %get3A_6 = vector.shape_cast %get3A_5 : vector<1x2048x128xf32> to vector<2048x128xf32>
    %get3A_7 = arith.constant 1 : index
    %get3A_8 = arith.constant 0 : index
    %get3A_9 = arith.constant 0 : index
    %get3A_10 = vector.load %arg2[%get3A_7, %get3A_8, %get3A_9] : memref<2x2048x128xf32, #tpu.memory_space<vmem>>, vector<1x2048x128xf32>
    %get3A_11 = vector.shape_cast %get3A_10 : vector<1x2048x128xf32> to vector<2048x128xf32>
    %add3A = arith.addf %get3A_6, %get3A_11 : vector<2048x128xf32>
    %get3A_12 = arith.constant 0 : index
    %get3A_13 = arith.constant 0 : index
    %get3A_14 = vector.load %arg3[%get3A_12, %get3A_13] : memref<128x512xf32, #tpu.memory_space<vmem>>, vector<128x512xf32>
    %dot_general3A = arith.constant dense<0.000000e+00> : vector<2048x512xf32>
    %dot_general3A_15 = tpu.matmul %get3A_1, %get3A_14, %dot_general3A {dimension_numbers = #tpu.dot_dimension_numbers<[1], [0], [0], [1], [0, 0, 1, 1], [], []>, transpose_lhs_hint = false} : vector<2048x128xf32>, vector<128x512xf32>, vector<2048x512xf32> -> vector<2048x512xf32>
    %get3A_16 = arith.constant 0 : index
    %get3A_17 = arith.constant 0 : index
    %get3A_18 = vector.load %arg4[%get3A_16, %get3A_17] : memref<128x512xf32, #tpu.memory_space<vmem>>, vector<128x512xf32>
    %dot_general3A_19 = arith.constant dense<0.000000e+00> : vector<2048x512xf32>
    %dot_general3A_20 = tpu.matmul %add3A, %get3A_18, %dot_general3A_19 {dimension_numbers = #tpu.dot_dimension_numbers<[1], [0], [0], [1], [0, 0, 1, 1], [], []>, transpose_lhs_hint = false} : vector<2048x128xf32>, vector<128x512xf32>, vector<2048x512xf32> -> vector<2048x512xf32>
    %add3A_21 = arith.addf %dot_general3A_15, %dot_general3A_20 : vector<2048x512xf32>
    %get3A_22 = arith.constant 0 : index
    %get3A_23 = arith.constant 0 : index
    %get3A_24 = vector.load %arg5[%get3A_22, %get3A_23] : memref<1x512xf32, #tpu.memory_space<vmem>>, vector<1x512xf32>
    %add3A_25 = vector.broadcast %get3A_24 : vector<1x512xf32> to vector<2048x512xf32>
    %add3A_26 = arith.addf %add3A_21, %add3A_25 : vector<2048x512xf32>
    %logistic3A = arith.negf %add3A_26 : vector<2048x512xf32>
    %logistic3A_27 = math.exp %logistic3A : vector<2048x512xf32>
    %logistic3A_28 = arith.constant 1.000000e+00 : f32
    %logistic3A_29 = vector.broadcast %logistic3A_28 : f32 to vector<2048x512xf32>
    %logistic3A_30 = arith.addf %logistic3A_29, %logistic3A_27 : vector<2048x512xf32>
    %logistic3A_31 = arith.divf %logistic3A_29, %logistic3A_30 : vector<2048x512xf32>
    %mul3A = arith.mulf %add3A_26, %logistic3A_31 : vector<2048x512xf32>
    %get3A_32 = arith.constant 0 : index
    %get3A_33 = arith.constant 0 : index
    %get3A_34 = vector.load %arg6[%get3A_32, %get3A_33] : memref<512x128xf32, #tpu.memory_space<vmem>>, vector<512x128xf32>
    %dot_general3A_35 = arith.constant dense<0.000000e+00> : vector<2048x128xf32>
    %dot_general3A_36 = tpu.matmul %mul3A, %get3A_34, %dot_general3A_35 {dimension_numbers = #tpu.dot_dimension_numbers<[1], [0], [0], [1], [0, 0, 1, 1], [], []>, transpose_lhs_hint = false} : vector<2048x512xf32>, vector<512x128xf32>, vector<2048x128xf32> -> vector<2048x128xf32>
    %get3A_37 = arith.constant 0 : index
    %get3A_38 = arith.constant 0 : index
    %get3A_39 = vector.load %arg7[%get3A_37, %get3A_38] : memref<1x128xf32, #tpu.memory_space<vmem>>, vector<1x128xf32>
    %add3A_40 = vector.broadcast %get3A_39 : vector<1x128xf32> to vector<2048x128xf32>
    %add3A_41 = arith.addf %dot_general3A_36, %add3A_40 : vector<2048x128xf32>
    %reduce_sum3A = arith.constant dense<0.000000e+00> : vector<2048xf32>
    %reduce_sum3A_42 = vector.multi_reduction <add>, %add3A_41, %reduce_sum3A [1] : vector<2048x128xf32> to vector<2048xf32>
    %broadcast_in_dim3A = vector.shape_cast %reduce_sum3A_42 : vector<2048xf32> to vector<2048x1xf32>
    %div3A = arith.constant 1.280000e+02 : f32
    %div3A_43 = vector.broadcast %div3A : f32 to vector<2048x1xf32>
    %div3A_44 = arith.divf %broadcast_in_dim3A, %div3A_43 : vector<2048x1xf32>
    %sub3A = vector.broadcast %div3A_44 : vector<2048x1xf32> to vector<2048x128xf32>
    %sub3A_45 = arith.subf %add3A_41, %sub3A : vector<2048x128xf32>
    %integer_pow3A = arith.mulf %sub3A_45, %sub3A_45 : vector<2048x128xf32>
    %reduce_sum3A_46 = arith.constant dense<0.000000e+00> : vector<2048xf32>
    %reduce_sum3A_47 = vector.multi_reduction <add>, %integer_pow3A, %reduce_sum3A_46 [1] : vector<2048x128xf32> to vector<2048xf32>
    %broadcast_in_dim3A_48 = vector.shape_cast %reduce_sum3A_47 : vector<2048xf32> to vector<2048x1xf32>
    %div3A_49 = arith.constant 1.280000e+02 : f32
    %div3A_50 = vector.broadcast %div3A_49 : f32 to vector<2048x1xf32>
    %div3A_51 = arith.divf %broadcast_in_dim3A_48, %div3A_50 : vector<2048x1xf32>
    %sub3A_52 = vector.broadcast %div3A_44 : vector<2048x1xf32> to vector<2048x128xf32>
    %sub3A_53 = arith.subf %add3A_41, %sub3A_52 : vector<2048x128xf32>
    %add3A_54 = arith.constant 9.99999974E-6 : f32
    %add3A_55 = vector.broadcast %add3A_54 : f32 to vector<2048x1xf32>
    %add3A_56 = arith.addf %div3A_51, %add3A_55 : vector<2048x1xf32>
    %rsqrt3A = math.rsqrt %add3A_56 : vector<2048x1xf32>
    %mul3A_57 = vector.broadcast %rsqrt3A : vector<2048x1xf32> to vector<2048x128xf32>
    %mul3A_58 = arith.mulf %sub3A_53, %mul3A_57 : vector<2048x128xf32>
    %get3A_59 = arith.constant 0 : index
    %get3A_60 = arith.constant 0 : index
    %get3A_61 = vector.load %arg8[%get3A_59, %get3A_60] : memref<1x128xf32, #tpu.memory_space<vmem>>, vector<1x128xf32>
    %mul3A_62 = vector.broadcast %get3A_61 : vector<1x128xf32> to vector<2048x128xf32>
    %mul3A_63 = arith.mulf %mul3A_58, %mul3A_62 : vector<2048x128xf32>
    %get3A_64 = arith.constant 0 : index
    %get3A_65 = arith.constant 0 : index
    %get3A_66 = vector.load %arg9[%get3A_64, %get3A_65] : memref<1x128xf32, #tpu.memory_space<vmem>>, vector<1x128xf32>
    %add3A_67 = vector.broadcast %get3A_66 : vector<1x128xf32> to vector<2048x128xf32>
    %add3A_68 = arith.addf %mul3A_63, %add3A_67 : vector<2048x128xf32>
    %add3A_69 = arith.addf %add3A_68, %get3A_1 : vector<2048x128xf32>
    %swap3A = arith.constant 0 : index
    %swap3A_70 = arith.constant 0 : index
    %swap3A_71 = vector.load %arg10[%swap3A, %swap3A_70] : memref<2048x128xf32, #tpu.memory_space<vmem>>, vector<2048x128xf32>
    tpu.vector_store %arg10[%swap3A, %swap3A_70], %add3A_69 {strides = array<i32>} : memref<2048x128xf32, #tpu.memory_space<vmem>>, vector<2048x128xf32>,
    return
  }
  func.func @transform_0(%arg0: i32) -> (i32, i32) {
    %c0_i32 = arith.constant 0 : i32
    %c0_i32_0 = arith.constant 0 : i32
    return %arg0, %c0_i32 : i32, i32
  }
  func.func @transform_1(%arg0: i32) -> (i32, i32, i32) {
    %c0_i32 = arith.constant 0 : i32
    %c0_i32_0 = arith.constant 0 : i32
    %c0_i32_1 = arith.constant 0 : i32
    return %c0_i32, %arg0, %c0_i32_0 : i32, i32, i32
  }
  func.func @transform_2(%arg0: i32) -> (i32, i32) {
    %c0_i32 = arith.constant 0 : i32
    %c0_i32_0 = arith.constant 0 : i32
    %c0_i32_1 = arith.constant 0 : i32
    return %c0_i32, %c0_i32_0 : i32, i32
  }
  func.func @transform_3(%arg0: i32) -> (i32, i32) {
    %c0_i32 = arith.constant 0 : i32
    %c0_i32_0 = arith.constant 0 : i32
    %c0_i32_1 = arith.constant 0 : i32
    return %c0_i32, %c0_i32_0 : i32, i32
  }
  func.func @transform_4(%arg0: i32) -> (i32, i32) {
    %c0_i32 = arith.constant 0 : i32
    %c0_i32_0 = arith.constant 0 : i32
    %c0_i32_1 = arith.constant 0 : i32
    return %c0_i32, %c0_i32_0 : i32, i32
  }
  func.func @transform_5(%arg0: i32) -> (i32, i32) {
    %c0_i32 = arith.constant 0 : i32
    %c0_i32_0 = arith.constant 0 : i32
    %c0_i32_1 = arith.constant 0 : i32
    return %c0_i32, %c0_i32_0 : i32, i32
  }
  func.func @transform_6(%arg0: i32) -> (i32, i32) {
    %c0_i32 = arith.constant 0 : i32
    %c0_i32_0 = arith.constant 0 : i32
    %c0_i32_1 = arith.constant 0 : i32
    return %c0_i32, %c0_i32_0 : i32, i32
  }
  func.func @transform_7(%arg0: i32) -> (i32, i32) {
    %c0_i32 = arith.constant 0 : i32
    %c0_i32_0 = arith.constant 0 : i32
    %c0_i32_1 = arith.constant 0 : i32
    return %c0_i32, %c0_i32_0 : i32, i32
  }
  func.func @transform_8(%arg0: i32) -> (i32, i32) {
    %c0_i32 = arith.constant 0 : i32
    %c0_i32_0 = arith.constant 0 : i32
    %c0_i32_1 = arith.constant 0 : i32
    return %c0_i32, %c0_i32_0 : i32, i32
  }
  func.func @transform_9(%arg0: i32) -> (i32, i32) {
    %c0_i32 = arith.constant 0 : i32
    %c0_i32_0 = arith.constant 0 : i32
    return %arg0, %c0_i32 : i32, i32
  }
}

</mosaic_0001>

<sc_bundles>
// kernel: kernel.4.cloned.1.call-start
scs
__scs_entry_jumppad:
0x0: {  	(pc) =	sbr.rel $0x88, $3  }
0x1: {  	(tag) =	ssettag $0x0;
	lr =	simm.s32 $0x1  }
0x2: {  	[smem:$0x3F98] =	sst lr;
	_ =	strace $0xD0000000  }
0x3: {  	_ = 	snop  }
0x4: {  	_ = 	snop  }
0x5: {  	_ = 	snop  }
0x6: {  	_ = 	snop  }
0x7: {  	_ = 	snop  }
__scs_overlays_trampoline_lowered:
0x8: {  	[smem:$0x3FA7] =	sst s0  }
0x9: {  	[smem:$0x3FA8] =	sst s1  }
0xa: {  	[smem:$0x3FA9] =	sst s2  }
0xb: {  	[smem:$0x3FAA] =	sst s3  }
0xc: {  	[smem:$0x3FAB] =	sst s4  }
0xd: {  	[smem:$0x3FAC] =	sst s5  }
0xe: {  	[smem:$0x3FAD] =	sst s6  }
0xf: {  	[smem:$0x3FAE] =	sst s7  }
0x10: {  	[smem:$0x3FAF] =	sst s8  }
0x11: {  	[smem:$0x3FB0] =	sst s9;
	s0 =	simm.s32 @!p0 $0x0  }
0x12: {  	s1 =	sld [smem:$0x3F96];
	s0 =	simm.s32 @p0 $0x1  }
0x13: {  	[smem:$0x3FB1] =	sst s0;
	s0 =	simm.s32 @!p1 $0x0  }
0x14: {  	s2 =	sld [smem:$0x3F95];
	s0 =	simm.s32 @p1 $0x1  }
0x15: {  	[smem:$0x3FB2] =	sst s0;
	s0 =	simm.s32 @!p2 $0x0  }
0x16: {  	s3 =	sld [smem:$0x3FDB];
	s0 =	simm.s32 @p2 $0x1  }
0x17: {  	s4 =	simm.s32 $0x1BF5;
	[smem:$0x3FB4] =	sst s0  }
0x18: {  	s0 =	sld [smem:$0x3F97];
	_ =	swait.ge [sflag:s4], $0x0  }
0x19: {  	s7 =	sld [smem:$0x3F98]  }
0x1a: {  	s8 =	sadd.s32 $0xFFFFE003, lr  }
0x1b: {  	s9 =	sadd.s32 $0xFFFFFEF7, lr;
	s5 =	simm.s32 $0xFFFFFFFF;
	p2 =	slt.u32 s8, $0xFFFFF086  }
0x1c: {  	p1 =	slt.u32 s9, $0xF7A;
	s5 =	simm.s32 @!p2 $0x0  }
0x1d: {  	s5 =	simm.s32 @p1 $0x1;
	p0 =	seq.s32 s7, s2  }
0x1e: {  	s7 =	smul.u32 @!p0 $0xF7A, s2;
	p2 =	seq.s32 @!p0 s5, $0x0  }
0x1f: {  	s9 =	smul.u32 $0xF7A, s1;
	s8 =	simm.s32 @!p0 $0x1BF5;
	p2 =	por !p2, p0  }
0x20: {  	[sflag:s8] =	ssyncset.s32 @!p0 $0xFFFFF086;
	s6 =	sadd.s32 @!p0 s3, s7;
	s7 =	simm.s32 @!p0 $0x108  }
0x21: {  	s3 =	sadd.s32 s3, s9;
	s6 =	sadd.s32 @!p0 $0x88, s6;
	s7 =	simm.s32 @p2 $0x1082  }
0x22: {  	[simem:s7], [sflag:s8] =	dma.local @!p0 [hbm:s6], $0xF7A  }
0x23: {  	s9 =	sor.u32 $0xD0000000, s2;
	s6 =	simm.s32 $0x108;
	_ =	swait.ge @!p0 [sflag:s8], $0x0  }
0x24: {  	s3 =	sadd.s32 $0x88, s3;
	s6 =	simm.s32 @!p1 $0x1082;
	[sflag:s4] =	ssyncset.s32 $0xFFFFF086  }
0x25: {  	[simem:s6], [sflag:s4] =	dma.local [hbm:s3], $0xF7A  }
0x26: {  	[smem:$0x3F98] =	sst s1;
	(tag) =	ssettag s2;
	_ =	strace s9  }
0x27: {  	s1 =	sld [smem:$0x3FA8]  }
0x28: {  	s2 =	sld [smem:$0x3FA9]  }
0x29: {  	s4 =	sld [smem:$0x3FAB]  }
0x2a: {  	p0 =	seq.s32 s5, $0x0;
	s5 =	sld [smem:$0x3FAC]  }
0x2b: {  	s6 =	sld [smem:$0x3FAD]  }
0x2c: {  	s7 =	sld [smem:$0x3FAE]  }
0x2d: {  	s3 =	simm.s32 $0x108;
	s8 =	sld [smem:$0x3FAF]  }
0x2e: {  	s3 =	simm.s32 @!p0 $0x1082;
	s9 =	sld [smem:$0x3FB0]  }
0x2f: {  	lr =	sadd.s32 s0, s3;
	s0 =	sld [smem:$0x3FA7]  }
0x30: {  	s3 =	sld [smem:$0x3FAA]  }
0x31: {  	[smem:$0x3FB3] =	sst s10  }
0x32: {  	s10 =	sld [smem:$0x3FB1];
	_ =	sdelay $0x3  }
0x33: {  	p0 =	seq.s32 s10, $0x1;
	s10 =	sld [smem:$0x3FB3];
	_ =	sdelay $0x3  }
0x34: {  	[smem:$0x3FB3] =	sst s10  }
0x35: {  	s10 =	sld [smem:$0x3FB2];
	_ =	sdelay $0x3  }
0x36: {  	p1 =	seq.s32 s10, $0x1;
	s10 =	sld [smem:$0x3FB3];
	_ =	sdelay $0x3  }
0x37: {  	[smem:$0x3FB3] =	sst s10  }
0x38: {  	s10 =	sld [smem:$0x3FB4]  }
0x39: {  	_ = 	snop;
	(pc) =	sbr.ind lr, $3  }
0x3a: {  	_ = 	snop  }
0x3b: {  	_ = 	snop  }
0x3c: {  	p2 =	seq.s32 s10, $0x1;
	s10 =	sld [smem:$0x3FB3]  }
0x3d: {  	_ =	shalt  }
0x3e: {  	_ =	shalt  }
0x3f: {  	_ =	shalt  }
0x40: {  	_ =	shalt  }
0x41: {  	_ =	shalt  }
0x42: {  	_ =	shalt  }
0x43: {  	_ =	shalt  }
0x44: {  	_ =	shalt  }
0x45: {  	_ =	shalt  }
0x46: {  	_ =	shalt  }
0x47: {  	_ =	shalt  }
0x48: {  	_ =	shalt  }
0x49: {  	_ =	shalt  }
0x4a: {  	_ =	shalt  }
0x4b: {  	_ =	shalt  }
0x4c: {  	_ =	shalt  }
0x4d: {  	_ =	shalt  }
0x4e: {  	_ =	shalt  }
0x4f: {  	_ =	shalt  }
0x50: {  	_ =	shalt  }
0x51: {  	_ =	shalt  }
0x52: {  	_ =	shalt  }
0x53: {  	_ =	shalt  }
0x54: {  	_ =	shalt  }
0x55: {  	_ =	shalt  }
0x56: {  	_ =	shalt  }
0x57: {  	_ =	shalt  }
0x58: {  	_ =	shalt  }
0x59: {  	_ =	shalt  }
0x5a: {  	_ =	shalt  }
0x5b: {  	_ =	shalt  }
0x5c: {  	_ =	shalt  }
0x5d: {  	_ =	shalt  }
0x5e: {  	_ =	shalt  }
0x5f: {  	_ =	shalt  }
0x60: {  	_ =	shalt  }
0x61: {  	_ =	shalt  }
0x62: {  	_ =	shalt  }
0x63: {  	_ =	shalt  }
0x64: {  	_ =	shalt  }
0x65: {  	_ =	shalt  }
0x66: {  	_ =	shalt  }
0x67: {  	_ =	shalt  }
0x68: {  	_ =	shalt  }
0x69: {  	_ =	shalt  }
0x6a: {  	_ =	shalt  }
0x6b: {  	_ =	shalt  }
0x6c: {  	_ =	shalt  }
0x6d: {  	_ =	shalt  }
0x6e: {  	_ =	shalt  }
0x6f: {  	_ =	shalt  }
0x70: {  	_ =	shalt  }
0x71: {  	_ =	shalt  }
0x72: {  	_ =	shalt  }
0x73: {  	_ =	shalt  }
0x74: {  	_ =	shalt  }
0x75: {  	_ =	shalt  }
0x76: {  	_ =	shalt  }
0x77: {  	_ =	shalt  }
0x78: {  	_ =	shalt  }
0x79: {  	_ =	shalt  }
0x7a: {  	_ =	shalt  }
0x7b: {  	_ =	shalt  }
0x7c: {  	_ =	shalt  }
0x7d: {  	_ =	shalt  }
0x7e: {  	_ =	shalt  }
0x7f: {  	_ =	shalt  }
0x80: {  	_ =	shalt  }
0x81: {  	_ =	shalt  }
0x82: {  	_ =	shalt  }
0x83: {  	_ =	shalt  }
0x84: {  	_ =	shalt  }
0x85: {  	_ =	shalt  }
0x86: {  	_ =	shalt  }
0x87: {  	_ =	shalt  }
.Lfunc_end0:
.L_simem_size_0:
called_computation_lowered:
.L_overlay_start_0:
0x88: {  	s2 =	sld [smem:$0x3FD9]  }
0x89: {  	s3 =	sld [smem:$0x3FFE];
	_ =	sdelay $0x1  }
0x8a: {  	s1 =	srdreg.scid  }
0x8b: {  	s0 =	sand.u32 $0x1, s1  }
0x8c: {  	s17 =	sshll.u32 s0, $0xA;
	s2 =	sadd.s32 s3, s2  }
0x8d: {  	s2 =	sadd.s32 s2, s17  }
0x8e: {  	[smem:$0x3FBF] =	sst s2  }
0x8f: {  	_ = 	snop  }
0x90: {  	s2 =	sld [smem:$0x3FC8]  }
0x91: {  	s18 =	sld [smem:$0x3FD0];
	(tm) =	ssettm $0x1  }
0x92: {  	s4 =	sld [smem:$0x3FFB];
	_ =	sdelay $0x3  }
0x93: {  	_ =	strace s4  }
0x94: {  	s4 =	sld [smem:$0x3FFC];
	_ =	sdelay $0x3  }
0x95: {  	_ =	strace s4  }
0x96: {  	s4 =	sld [smem:$0x3FFD];
	_ =	sdelay $0x3  }
0x97: {  	_ =	strace s4  }
0x98: {  	_ =	strace $0x8FFFFFFF  }
0x99: {  	s19 =	sld [smem:$0x3FDB];
	_ =	sdelay $0x1  }
0x9a: {  	s5 =	simm.s32 $_scs_section_size  }
0x9b: {  	s6 =	simm.s32 $_size__tile_overlayer_lowered;
	s7 =	simm.s32 $_tile_overlayer_lowered  }
0x9c: {  	s22 =	simm.s32 $0x1BFF;
	s21 =	sshll.u32 s7, $0x1;
	s4 =	sadd.s32 s5, s19  }
0x9d: {  	s8 =	simm.s32 $0x0;
	s20 =	sshll.u32 s6, $0x1;
	s6 =	sadd.s32 s21, s4  }
0x9e: {  	[timem:s8], [sflag:s22] =	dma.local [hbm:s6], s20  }
0x9f: {  	_ =	swait.ge [sflag:s22], s20  }
0xa0: {  	s5 =	ssub.s32 $0x0, s20;
	[sflag:s22] =	ssyncset.done $0x0  }
0xa1: {  	[sflag:s22] =	ssyncadd.s32 s5;
	_ =	sdelay $0x1  }
0xa2: {  	s23 =	simm.s32 $0x1B8B  }
0xa3: {  	_ =	swait.ge [sflag:s23], $0x1  }
0xa4: {  	[sflag:s23] =	ssyncset.done $0x0  }
0xa5: {  	s25 =	simm.s32 $0x1B8E;
	s24 =	sld [smem:$0x3FFE];
	[sflag:s23] =	ssyncadd.s32 $0xFFFFFFFF  }
0xa6: {  	s26 =	simm.s32 $execute0_lowered;
	[smem:$0x3FD2] =	sst s25  }
0xa7: {  	s6 =	sshll.u32 s26, $0x1;
	_ =	strace $0x80000046;
	[dreg:$0x1] =	wrdreg $0xFFFFFFFF  }
0xa8: {  	s28 =	simm.s32 $_size_execute0_lowered;
	s4 =	sadd.s32 s4, s6;
	[dreg:$0x0] =	wrdreg $0x0  }
0xa9: {  	s6 =	sshll.u32 s28, $0x1;
	[dreg:$0x2] =	wrdreg s4  }
0xaa: {  	[dreg:$0x3] =	wrdreg s6  }
0xab: {  	[dreg:$0x4] =	wrdreg $0xC0  }
0xac: {  	_ =	task [dreg:s8], $0x5FFFF  }
0xad: {  	[dreg:$0x1] =	wrdreg $0xFFFFFFFF  }
0xae: {  	[dreg:$0x0] =	wrdreg $0x60  }
0xaf: {  	[dreg:$0x2] =	wrdreg s2  }
0xb0: {  	[dreg:$0x3] =	wrdreg s18  }
0xb1: {  	[dreg:$0x4] =	wrdreg s24  }
0xb2: {  	[dreg:$0x5] =	wrdreg $0xA7800  }
0xb3: {  	[dreg:$0x6] =	wrdreg $0x9  }
0xb4: {  	_ =	task.clear_ibuf [dreg:s8], $0x7FFFF;
	_ =	strace $0x90000046  }
0xb5: {  	s29 =	simm.s32 $0x9;
	_ =	strace $0x80000048  }
0xb6: {  	_ =	swait.ge [sflag:s29], $0x1  }
0xb7: {  	[sflag:s29] =	ssyncadd.s32 $0xFFFFFFFF  }
0xb8: {  	_ =	strace $0x90000048  }
0xb9: {  	_ =	sfence  }
0xba: {  	s30 =	sld [smem:$0x0];
	_ =	sdelay $0x2  }
0xbb: {  	s31 =	sshll.u32 s1, $0xD;
	s1 =	sshrl.u32 s1, $0x2  }
0xbc: {  	s3 =	sand.u32 $0x4000, s31;
	s1 =	sadd.s32 s1, s30  }
0xbd: {  	s0 =	sor.u32 s3, s0;
	s1 =	sshll.u32 s1, $0x11  }
0xbe: {  	s0 =	sor.u32 s1, s0  }
0xbf: {  	s0 =	sadd.s32 $0x8F2B, s0  }
0xc0: {  	[sflag:s0] =	ssyncadd.remote.s32 $0x1  }
0xc1: {  	_ =	sfence.sel $0xFFFF  }
0xc2: {  	[dreg:$0x0] =	wrdreg $0xFFFFFFFF;
	(pc) =	sbr.abs _section_cstart, $3  }
0xc3: {  	[dreg:$0x1] =	wrdreg $0xFFFFFFFF  }
0xc4: {  	_ =	task.clear_ibuf [dreg:s8], $0x2FFFF;
	_ =	strace $0x9FFFFFFF  }
0xc5: {  	(tm) =	ssettm $0x7FFFFFFF  }
tec
execute0_lowered:
.L_overlay_start_1:
0x0: {  	(tag) =	ssettag $0x1  }
0x1: {  	s17 =	rddreg [dreg:$0x0]  }
0x2: {  	s9 =	rddreg [dreg:$0x1]  }
0x3: {  	s0 =	srdreg.scid;
	s4 =	rddreg [dreg:$0x2]  }
0x4: {  	s23 =	stileid.u32;
	s2 =	rddreg [dreg:$0x3]  }
0x5: {  	s3 =	simm.s32 $0x0;
	s21 =	simm.s32 $0x1;
	s22 =	simm.s32 $0x80  }
0x6: {  	s28 =	simm.s32 $0x0;
	s10 =	sand.u32 $0x1, s0;
	s6 =	smul.u32 $0x14000, s23  }
0x7: {  	[smem:$0x7FF] =	sst s3;
	s24 =	smul.u32 $0x50000, s23;
	s26 =	sshll.u32 s23, $0x1  }
0x8: {  	s18 =	smul.u32 $0x9C, s23;
	s30 =	sadd.s32 $0x800, s17;
	p0 =	sgt.u32 s23, $0x1  }
0x9: {  	s23 =	simm.s32 $0x3;
	s5 =	smul.u32 $0x140000, s10;
	_ =	strace $0x80000047  }
0xa: {  	s25 =	ssub.s32 $0x2, s10;
	s12 =	sor.u32 s10, s26;
	s19 =	smul.u32 $0x4E, s10  }
0xb: {  	s26 =	simm.s32 $0x2680;
	s7 =	sshrl.u32 s25, $0x1;
	s11 =	smul.u32 $0x4E0, s12  }
0xc: {  	s29 =	sshrl.u32 s24, $0x2;
	s13 =	smul.u32 $0x27000, s12;
	s16 =	sshll.u32 s12, $0x4  }
0xd: {  	s20 =	sshll.u32 s12, $0xB;
	s24 =	simm.s32 $0x2;
	s5 =	sadd.s32 s6, s5  }
0xe: {  	s15 =	ssub.s32 s25, s7;
	s16 =	sadd.s32 s16, s9;
	s18 =	sadd.s32 s19, s18  }
0xf: {  	s31 =	sadd.s32 s20, s17;
	s19 =	simm.s32 $0x5;
	s20 =	simm.s32 $0x6780  }
0x10: {  	s25 =	simm.s32 $0x4;
	s5 =	sshrl.u32 s5, $0x3;
	s9 =	sadd.s32 s9, s11  }
0x11: {  	s10 =	sadd.s32 $0x9C00, s16;
	s11 =	sadd.s32 s17, s13;
	s12 =	sadd.s32 s13, s30  }
0x12: {  	s18 =	sshll.u32 s18, $0xB;
	s13 =	sadd.s32 $0x4E0000, s31;
	s15 =	smax.u32 s15, $0x1  }
0x13: {  	s14 =	sadd.s32 s5, s4;
	s4 =	sadd.s32 s29, s2;
	s16 =	sadd.s32 s30, s18  }
0x14: {  	s17 =	sadd.s32 s17, s18;
	s18 =	simm.s32 $0x2780;
	s5 =	sadd.s32 $0x4000, s4  }
0x15: {  	s6 =	sadd.s32 $0x8000, s4;
	s7 =	sadd.s32 $0xC000, s4;
	s8 =	sadd.s32 $0x10000, s4  }
0x16: {  	v0 =	vimm.f32 $0.0e+00;
	s14 =	sadd.s32 $0x1600, s14;
	s16 =	sadd.s32 $0x1000, s16;
	s17 =	sadd.s32 $0x1000, s17  }
.LBB2_1:
0x17: {  	s29 =	sand.u32 $0xFE00, s3  }
0x18: {  	s30 =	sand.u32 $0x70, s3;
	s31 =	sshrl.u32 s29, $0x2  }
0x19: {  	s29 =	simm.s32 $0x40;
	s31 =	sor.u32 s30, s31;
	s30 =	simm.s32 $0x0  }
.LBB2_2:
0x1a: {  	p1 =	sne.s32 s29, $0xFFC0  }
0x1b: {  	[tilespmem:s31+$0x2780] =	vst v0;
	s30 =	sadd.s32 $0x10, s30;
	s31 =	smov.u32 s29;
	s29 =	sadd.s32 $0x40, s29  }
.Ltmp0:
0x1c: {  	(pc) =	sbr.rel @p1 .LBB2_2-.Ltmp0, $4  }
0x1d: {  	_ = 	snop  }
0x1e: {  	s31 =	sand.u32 $0xFE00, s31  }
0x1f: {  	s1 =	sand.u32 $0x70, s30;
	s31 =	sshrl.u32 s31, $0x2  }
0x20: {  	s31 =	sor.u32 s1, s31  }
0x21: {  	[tilespmem:s31+$0x2780] =	vst v0  }
0x22: {  	[spmem:s4] =	stream.linear.scatter [tilespmem:s18], [sflag:$0x5], $0x4000, $0x38;
	[tilespmem:$0x1E780] =	vst v63  }
0x23: {  	_ =	swait.ge [sflag:s19], $0x4000  }
0x24: {  	[sflag:s19] =	ssyncset.done $0x0  }
0x25: {  	[sflag:s19] =	ssyncadd.s32 $0xFFFFC000  }
0x26: {  	[spmem:s5] =	stream.linear.scatter [tilespmem:s18], [sflag:$0x5], $0x4000, $0x38;
	[tilespmem:$0x1E780] =	vst v63  }
0x27: {  	_ =	swait.ge [sflag:s19], $0x4000  }
0x28: {  	[sflag:s19] =	ssyncset.done $0x0  }
0x29: {  	[sflag:s19] =	ssyncadd.s32 $0xFFFFC000  }
0x2a: {  	[spmem:s6] =	stream.linear.scatter [tilespmem:s18], [sflag:$0x5], $0x4000, $0x38;
	[tilespmem:$0x1E780] =	vst v63  }
0x2b: {  	_ =	swait.ge [sflag:s19], $0x4000  }
0x2c: {  	[sflag:s19] =	ssyncset.done $0x0  }
0x2d: {  	[sflag:s19] =	ssyncadd.s32 $0xFFFFC000  }
0x2e: {  	[spmem:s7] =	stream.linear.scatter [tilespmem:s18], [sflag:$0x5], $0x4000, $0x38;
	[tilespmem:$0x1E780] =	vst v63  }
0x2f: {  	_ =	swait.ge [sflag:s19], $0x4000  }
0x30: {  	[sflag:s19] =	ssyncset.done $0x0  }
0x31: {  	[sflag:s19] =	ssyncadd.s32 $0xFFFFC000  }
0x32: {  	[spmem:s8] =	stream.linear.scatter [tilespmem:s18], [sflag:$0x5], $0x4000, $0x38;
	[tilespmem:$0x1E780] =	vst v63  }
0x33: {  	_ =	swait.ge [sflag:s19], $0x4000  }
0x34: {  	[sflag:s19] =	ssyncset.done $0x0  }
0x35: {  	[sflag:s19] =	ssyncadd.s32 $0xFFFFC000  }
0x36: {  	[tilespmem:s3], [sflag:$0x5] =	stream.linear.gather [hbm4b:s9+s3], $0x2700, $0x38;
	[tilespmem:$0x1E780] =	vst v63  }
0x37: {  	_ =	swait.ge [sflag:s19], $0x2700  }
0x38: {  	[sflag:s19] =	ssyncset.done $0x0  }
0x39: {  	s1 =	simm.s32 @!p0 $0x0;
	s29 =	simm.s32 @!p0 $0x2700;
	[sflag:s19] =	ssyncadd.s32 $0xFFFFD900  }
0x3a: {  	[tilespmem:s29], [sflag:$0x5] =	stream.linear.gather @!p0 [hbm4b:s10+s1], $0x80, $0x38;
	[tilespmem:$0x1E780] =	vst v63  }
0x3b: {  	s1 =	simm.s32 @!p0 $0x5  }
0x3c: {  	_ =	swait.ge @!p0 [sflag:s1], $0x80  }
0x3d: {  	[sflag:s1] =	ssyncset.done @!p0 $0x0  }
0x3e: {  	[sflag:s1] =	ssyncadd.s32 @!p0 $0xFFFFFF80  }
0x3f: {  	s0 =	simm.s32 $0x0;
	[bflag:$0x0] =	sbarrier.arrive $0xFFFF  }
0x40: {  	[tilespmem:s18], [sflag:$0x1] =	stream.linear.gather [hbm4b:s11+s0], $0x4000, $0x38;
	[tilespmem:$0x1E780] =	vst v63  }
0x41: {  	_ = 	snop  }
0x42: {  	[tilespmem:s20], [sflag:$0x2] =	stream.linear.gather [hbm4b:s12+s0], $0x4000, $0x38;
	[tilespmem:$0x1E780] =	vst v63  }
0x43: {  	_ =	swait.ge [sflag:s21], $0x4000  }
0x44: {  	[sflag:s21] =	ssyncset.done $0x0  }
0x45: {  	[sflag:s21] =	ssyncadd.s32 $0xFFFFC000  }
0x46: {  	[spmem:s2] =	stream.indirect.scatter.add.f32 [tilespmem:s18], [sflag:$0x3], $0x80, s0, s22, $0xb8;
	[tilespmem:$0x1E780] =	vst v63  }
0x47: {  	_ =	swait.ge [sflag:s23], $0x4000  }
0x48: {  	[sflag:s23] =	ssyncset.done $0x0  }
0x49: {  	s0 =	sadd.s32 $0x0, s17;
	[sflag:s23] =	ssyncadd.s32 $0xFFFFC000  }
0x4a: {  	[tilespmem:s18], [sflag:$0x1] =	stream.linear.gather [hbm4b:s0+s3], $0x4000, $0x38;
	[tilespmem:$0x1E780] =	vst v63  }
0x4b: {  	_ =	swait.ge [sflag:s24], $0x4000  }
0x4c: {  	[sflag:s24] =	ssyncset.done $0x0  }
0x4d: {  	s0 =	simm.s32 $0x80;
	[sflag:s24] =	ssyncadd.s32 $0xFFFFC000  }
0x4e: {  	[spmem:s2] =	stream.indirect.scatter.add.f32 [tilespmem:s20], [sflag:$0x4], $0x80, s0, s22, $0xb8;
	[tilespmem:$0x1E780] =	vst v63  }
0x4f: {  	_ =	swait.ge [sflag:s25], $0x4000  }
0x50: {  	[sflag:s25] =	ssyncset.done $0x0  }
0x51: {  	s0 =	sadd.s32 $0x0, s16;
	[sflag:s25] =	ssyncadd.s32 $0xFFFFC000  }
0x52: {  	[tilespmem:s20], [sflag:$0x2] =	stream.linear.gather [hbm4b:s0+s3], $0x4000, $0x38;
	[tilespmem:$0x1E780] =	vst v63  }
0x53: {  	_ =	swait.ge [sflag:s21], $0x4000  }
0x54: {  	s30 =	simm.s32 $0x1000;
	[sflag:s21] =	ssyncset.done $0x0  }
0x55: {  	s31 =	simm.s32 $0x200;
	s29 =	simm.s32 $0x100;
	[sflag:s21] =	ssyncadd.s32 $0xFFFFC000  }
.LBB2_4:
0x56: {  	[spmem:s2] =	stream.indirect.scatter.add.f32 [tilespmem:s18], [sflag:$0x3], $0x80, s29, s22, $0xb8;
	[tilespmem:$0x1E780] =	vst v63  }
0x57: {  	s1 =	smov.u32 s30;
	s29 =	smov.u32 s31  }
0x58: {  	p1 =	sne.s32 s30, $0x25000;
	s30 =	sadd.s32 $0x1000, s30;
	_ =	swait.ge [sflag:s23], $0x4000  }
0x59: {  	[sflag:s23] =	ssyncset.done $0x0  }
0x5a: {  	s0 =	sadd.s32 s1, s17;
	[sflag:s23] =	ssyncadd.s32 $0xFFFFC000  }
0x5b: {  	[tilespmem:s18], [sflag:$0x1] =	stream.linear.gather [hbm4b:s0+s3], $0x4000, $0x38;
	[tilespmem:$0x1E780] =	vst v63  }
0x5c: {  	_ =	swait.ge [sflag:s24], $0x4000  }
0x5d: {  	[sflag:s24] =	ssyncset.done $0x0  }
0x5e: {  	s0 =	sadd.s32 $0xFFFFFF80, s31;
	[sflag:s24] =	ssyncadd.s32 $0xFFFFC000  }
0x5f: {  	[spmem:s2] =	stream.indirect.scatter.add.f32 [tilespmem:s20], [sflag:$0x4], $0x80, s0, s22, $0xb8;
	[tilespmem:$0x1E780] =	vst v63  }
0x60: {  	_ =	swait.ge [sflag:s25], $0x4000  }
0x61: {  	[sflag:s25] =	ssyncset.done $0x0  }
.Ltmp1:
0x62: {  	s0 =	sadd.s32 s1, s16;
	[sflag:s25] =	ssyncadd.s32 $0xFFFFC000;
	(pc) =	sbr.rel @p1 .LBB2_4-.Ltmp1, $4  }
0x63: {  	[tilespmem:s20], [sflag:$0x2] =	stream.linear.gather [hbm4b:s0+s3], $0x4000, $0x38;
	[tilespmem:$0x1E780] =	vst v63  }
0x64: {  	_ =	swait.ge [sflag:s21], $0x4000  }
0x65: {  	[sflag:s21] =	ssyncset.done $0x0  }
0x66: {  	s31 =	sadd.s32 $0x100, s31;
	[sflag:s21] =	ssyncadd.s32 $0xFFFFC000  }
0x67: {  	[spmem:s2] =	stream.indirect.scatter.add.f32 [tilespmem:s18], [sflag:$0x3], $0x80, s29, s22, $0xb8;
	[tilespmem:$0x1E780] =	vst v63  }
0x68: {  	_ =	swait.ge [sflag:s24], $0x4000  }
0x69: {  	[sflag:s24] =	ssyncset.done $0x0  }
0x6a: {  	[sflag:s24] =	ssyncadd.s32 $0xFFFFC000  }
0x6b: {  	[spmem:s2] =	stream.indirect.scatter.add.f32 [tilespmem:s20], [sflag:$0x4], $0x80, s26, s22, $0xb8;
	[tilespmem:$0x1E780] =	vst v63  }
0x6c: {  	_ =	swait.ge [sflag:s23], $0x4000  }
0x6d: {  	[sflag:s23] =	ssyncset.done $0x0  }
0x6e: {  	[sflag:s23] =	ssyncadd.s32 $0xFFFFC000  }
0x6f: {  	_ =	swait.ge [sflag:s25], $0x4000  }
0x70: {  	[sflag:s25] =	ssyncset.done $0x0  }
0x71: {  	s0 =	simm.s32 @!p0 $0x0;
	s1 =	simm.s32 @!p0 $0x2780;
	[sflag:s25] =	ssyncadd.s32 $0xFFFFC000  }
0x72: {  	[tilespmem:s1], [sflag:$0x5] =	stream.linear.gather @!p0 [hbm4b:s13+s0], $0x4000, $0x38;
	[tilespmem:$0x1E780] =	vst v63  }
0x73: {  	s0 =	simm.s32 @!p0 $0x5  }
0x74: {  	_ =	swait.ge @!p0 [sflag:s0], $0x4000  }
0x75: {  	[sflag:s0] =	ssyncset.done @!p0 $0x0  }
0x76: {  	s29 =	simm.s32 @!p0 $0x80;
	s30 =	simm.s32 @!p0 $0x2700;
	[sflag:s0] =	ssyncadd.s32 @!p0 $0xFFFFC000  }
0x77: {  	[spmem:s2] =	stream.indirect.scatter.add.f32 @!p0 [tilespmem:s1], [sflag:$0x5], $0x80, s30, s29, $0xb8;
	[tilespmem:$0x1E780] =	vst v63  }
0x78: {  	s31 =	sshrl.u32 s4, $0x3;
	_ =	swait.ge @!p0 [sflag:s0], $0x4000  }
0x79: {  	s28 =	sadd.s32 $0x1, s28;
	s30 =	stileid.u32;
	[sflag:s0] =	ssyncset.done @!p0 $0x0  }
0x7a: {  	p1 =	sne.s32 s28, s15;
	[sflag:s0] =	ssyncadd.s32 @!p0 $0xFFFFC000;
	s0 =	sshll.u32 s30, $0x6  }
.Ltmp2:
0x7b: {  	[bflag:$0x0] =	sbarrier.arrive $0xFFFF;
	s0 =	sor.u32 $0x1C05, s0;
	(pc) =	sbr.rel @p1 .LBB2_1-.Ltmp2, $4  }
0x7c: {  	[hbm:s14], [sflag:s0] =	dma.local [spmem:s31], $0x2800  }
0x7d: {  	_ =	swait.ge [sflag:s19], $0x2800  }
0x7e: {  	[sflag:s19] =	ssyncset.done $0x0  }
0x7f: {  	[sflag:s19] =	ssyncadd.s32 $0xFFFFD800  }
0x80: {  	_ =	sfence.sel $0x180000  }
0x81: {  	[bflag:$0x0] =	sbarrier.arrive $0xFFFF  }
0x82: {  	_ =	strace $0x90000047  }
0x83: {  	s0 =	stileid.u32;
	[bflag:$0x2] =	sbarrier.arrive $0xFFFF  }
0x84: {  	p0 =	sne.s32 s0, $0x0;
	s0 =	rddreg [dreg:$0x4]  }
0x85: {  	s0 =	sadd.s32 @!p0 $0x100000, s0  }
0x86: {  	[sflag:s0] =	ssyncadd.tile.s32 @!p0 $0x1;
	_ =	shalt  }
.Lfunc_end2:
_tile_overlayer_lowered:
.L_overlay_start_2:
0x87: {  	(tag) =	ssettag $0x2  }
0x88: {  	s0 =	rddreg [dreg:$0x0];
	s2 =	stileid.u32  }
0x89: {  	s1 =	rddreg [dreg:$0x1];
	p0 =	sne.s32 s2, $0x0  }
0x8a: {  	s3 =	rddreg [dreg:$0x2];
	[bflag:$0x3] =	sbarrier.arrive $0xFFFF;
	s2 =	simm.s32 @!p0 $0x1C05  }
0x8b: {  	[timem:s3], [sflag:s2] =	dma.local @!p0 [hbm:s0], s1  }
0x8c: {  	s0 =	simm.s32 @!p0 $0x5  }
0x8d: {  	_ =	swait.ge @!p0 [sflag:s0], s1  }
0x8e: {  	s1 =	ssub.s32 @!p0 $0x0, s1;
	[sflag:s0] =	ssyncset.done @!p0 $0x0  }
0x8f: {  	[sflag:s0] =	ssyncadd.s32 @!p0 s1  }
0x90: {  	[bflag:$0x3] =	sbarrier.arrive $0xFFFF  }
0x91: {  	_ =	shalt  }

</sc_bundles>
